<compile_context>
chip_gen: v7x
topology: tpu7x:2x2x1
jax: 0.10.2.dev20260603
libtpu: 0.0.44.dev20260713+nightly
codegen_flags: <defaults>
</compile_context>

<pallas_src>
import functools

import jax
import jax.numpy as jnp
from jax import lax
from jax.experimental import pallas as pl
from jax.experimental.pallas import tpu as pltpu
from jax.experimental.pallas import tpu_sc as plsc

N_FIELDS = 26
VOCAB = 1000
EMBED_DIM = 128
BATCH = 16384

NUM_WORKERS = 32
B_PER_W = BATCH // NUM_WORKERS
LANES = 16
GROUPS = B_PER_W // LANES


FIELDS_PER_STEP = 13
TC_STEPS = N_FIELDS // FIELDS_PER_STEP


def _rowsum_body(b_ref, t_ref, o_ref):
    ones = jnp.ones((1, EMBED_DIM), dtype=jnp.float32)
    for f in range(FIELDS_PER_STEP):
        x = t_ref[f]
        s = lax.dot_general(ones, x, (((1,), (1,)), ((), ())),
                            preferred_element_type=jnp.float32)
        if f == 0:
            s = jnp.where(pl.program_id(0) == 0, s + b_ref[0], s)
        o_ref[f] = s


def _field_rowsums(tables, bias):
    return pl.pallas_call(
        _rowsum_body,
        grid=(TC_STEPS,),
        in_specs=[
            pl.BlockSpec(memory_space=pltpu.SMEM),
            pl.BlockSpec((FIELDS_PER_STEP, VOCAB, EMBED_DIM),
                         lambda i: (i, 0, 0)),
        ],
        out_specs=pl.BlockSpec((FIELDS_PER_STEP, 1, VOCAB),
                               lambda i: (i, 0, 0)),
        out_shape=jax.ShapeDtypeStruct((N_FIELDS, 1, VOCAB), jnp.float32),
    )(bias, tables)


def _sc_gather_sum(rowsum_hbm, idx_hbm, out_hbm, rowsum_v, idx_v, out_v):
    wid = lax.axis_index("s") * 2 + lax.axis_index("c")
    pltpu.sync_copy(rowsum_hbm, rowsum_v)
    pltpu.sync_copy(idx_hbm.at[wid], idx_v)

    def body(j, carry):
        acc = jnp.zeros((LANES,), jnp.float32)
        for f in range(N_FIELDS):
            idx = idx_v[pl.ds(f * B_PER_W + j * LANES, LANES)]
            acc = acc + plsc.load_gather(rowsum_v, [idx])
        out_v[pl.ds(j * LANES, LANES)] = acc
        return carry

    lax.fori_loop(0, GROUPS, body, 0)
    pltpu.sync_copy(out_v, out_hbm.at[pl.ds(wid * B_PER_W, B_PER_W)])


_SC_KERNEL = functools.partial(
    pl.kernel,
    out_type=jax.ShapeDtypeStruct((BATCH,), jnp.float32),
    mesh=plsc.VectorSubcoreMesh(core_axis_name="c", subcore_axis_name="s"),
    compiler_params=pltpu.CompilerParams(needs_layout_passes=False),
    scratch_types=[
        pltpu.VMEM((N_FIELDS * VOCAB,), jnp.float32),
        pltpu.VMEM((N_FIELDS * B_PER_W,), jnp.int32),
        pltpu.VMEM((B_PER_W,), jnp.float32),
    ],
)(_sc_gather_sum)


def kernel(indices, tables, bias):
    rowsum = _field_rowsums(tables, bias.astype(jnp.float32))
    rowsum = rowsum.reshape(N_FIELDS * VOCAB)
    flat = indices.astype(jnp.int32) + (
        jnp.arange(N_FIELDS, dtype=jnp.int32) * VOCAB)[None, :]
    idx_prep = (flat.T.reshape(N_FIELDS, NUM_WORKERS, B_PER_W)
                .transpose(1, 0, 2).reshape(NUM_WORKERS, N_FIELDS * B_PER_W))
    out_flat = _SC_KERNEL(rowsum, idx_prep)
    return out_flat.reshape(BATCH, 1)

# --- scband reference (transcript-rebuilt; emitter-appended) ---
"""Pipeline reference for scband-lrlayer-19593640804730 (READ-ONLY COPY).

The authoritative reference and input builder live on the scoring server;
editing this copy changes nothing except your own understanding.
"""

import jax, jax.numpy as jnp
import numpy as np

N_FIELDS = 26
VOCAB = 1000
EMBED_DIM = 128
BATCH = 16384
ACTIVATION = False


def setup_inputs(seed: int = 0) -> dict:
    key = jax.random.key(seed)
    k1, k2 = jax.random.split(key, 2)
    # sparse field indices: one id per field per example
    indices = jax.random.randint(k1, (BATCH, N_FIELDS), 0, VOCAB, dtype=jnp.int32)
    # per-field embedding tables (EmbeddingLayer holds one table per feature_col)
    tables = jax.random.normal(k2, (N_FIELDS, VOCAB, EMBED_DIM), dtype=jnp.float32) * 0.01
    # LR bias, initialized to zero per build()
    bias = jnp.zeros((1,), dtype=jnp.float32)
    return {"indices": indices, "tables": tables, "bias": bias}


def reference(indices, tables, bias):
    # EmbeddingLayer: per-field gather -> dict of [B, 1, D] embeddings
    field_ids = jnp.arange(N_FIELDS)
    emb = tables[field_ids[None, :], indices]  # [B, F, D]  (concat over fields)
    # Flatten + sum over axis=1 with keepdims -> sum over all fields and embed dims
    out = jnp.sum(emb.reshape(emb.shape[0], -1), axis=1, keepdims=True) + bias  # [B, 1]
    if ACTIVATION:
        out = jax.nn.sigmoid(out)
    return out

if __name__ == "__main__":
    import jax
    _d = setup_inputs()
    print(jax.jit(kernel)(*tuple(_d.values())))

</pallas_src>

<mosaic_0001>
#map = affine_map<(d0, d1) -> (0)>
#map1 = affine_map<(d0, d1) -> (0, 0)>
module attributes {stable_mosaic.version = 14 : i64} {
  func.func @_sc_gather_sum(%arg0: i32, %arg1: i32, %arg2: memref<26000xf32, #tpu.memory_space<hbm>>, %arg3: memref<32x13312xi32, #tpu.memory_space<hbm>>, %arg4: memref<16384xf32, #tpu.memory_space<hbm>>, %arg5: memref<26000xf32, #tpu.memory_space<vmem>>, %arg6: memref<13312xi32, #tpu.memory_space<vmem>>, %arg7: memref<512xf32, #tpu.memory_space<vmem>>) attributes {dimension_semantics = [#tpu.dimension_semantics<core_parallel>, #tpu.dimension_semantics<subcore_parallel>], iteration_bounds = array<i64: 2, 16>, scalar_prefetch = 0 : i64, scratch_operands = 3 : i64, tpu.core_type = #tpu.core_type<sc_vector_subcore>, window_params = [{transform_indices = #map}, {transform_indices = #map1}, {transform_indices = #map}]} {
    %mul3A = arith.constant 2 : i32
    %mul3A_0 = arith.muli %arg1, %mul3A : i32
    %add3A = arith.addi %mul3A_0, %arg0 : i32
    "tpu.region"() ({
      %run_scoped3A = tpu.sem_alloc : memref<!tpu.dma_semaphore, #tpu.memory_space<semaphore_mem>>
      tpu.enqueue_dma source(%arg2 : memref<26000xf32, #tpu.memory_space<hbm>>) target(%arg5 : memref<26000xf32, #tpu.memory_space<vmem>>) target_semaphore(%run_scoped3A : memref<!tpu.dma_semaphore, #tpu.memory_space<semaphore_mem>>)
      tpu.wait_dma2 semaphore(%run_scoped3A : memref<!tpu.dma_semaphore, #tpu.memory_space<semaphore_mem>>) src(%arg2 : memref<26000xf32, #tpu.memory_space<hbm>>) dst(%arg5 : memref<26000xf32, #tpu.memory_space<vmem>>)
      tpu.yield
    }) : () -> ()
    "tpu.region"() ({
      %run_scoped3A = tpu.sem_alloc : memref<!tpu.dma_semaphore, #tpu.memory_space<semaphore_mem>>
      %dma_start3A = arith.constant 0 : i32
      %dma_start3A_8 = tpu.memref_slice %arg3[%add3A, %dma_start3A] : memref<32x13312xi32, #tpu.memory_space<hbm>> -> memref<1x13312xi32, #tpu.memory_space<hbm>>
      %dma_start3A_9 = tpu.memref_squeeze %dma_start3A_8 : memref<1x13312xi32, #tpu.memory_space<hbm>> -> memref<13312xi32, #tpu.memory_space<hbm>>
      %dma_start3A_10 = arith.constant 0 : i32
      %dma_start3A_11 = tpu.memref_slice %arg3[%add3A, %dma_start3A_10] : memref<32x13312xi32, #tpu.memory_space<hbm>> -> memref<1x13312xi32, #tpu.memory_space<hbm>>
      %dma_start3A_12 = tpu.memref_squeeze %dma_start3A_11 : memref<1x13312xi32, #tpu.memory_space<hbm>> -> memref<13312xi32, #tpu.memory_space<hbm>>
      tpu.enqueue_dma source(%dma_start3A_12 : memref<13312xi32, #tpu.memory_space<hbm>>) target(%arg6 : memref<13312xi32, #tpu.memory_space<vmem>>) target_semaphore(%run_scoped3A : memref<!tpu.dma_semaphore, #tpu.memory_space<semaphore_mem>>)
      %dma_wait3A = arith.constant 0 : i32
      %dma_wait3A_13 = tpu.memref_slice %arg3[%add3A, %dma_wait3A] : memref<32x13312xi32, #tpu.memory_space<hbm>> -> memref<1x13312xi32, #tpu.memory_space<hbm>>
      %dma_wait3A_14 = tpu.memref_squeeze %dma_wait3A_13 : memref<1x13312xi32, #tpu.memory_space<hbm>> -> memref<13312xi32, #tpu.memory_space<hbm>>
      %dma_wait3A_15 = arith.constant 0 : i32
      %dma_wait3A_16 = tpu.memref_slice %arg3[%add3A, %dma_wait3A_15] : memref<32x13312xi32, #tpu.memory_space<hbm>> -> memref<1x13312xi32, #tpu.memory_space<hbm>>
      %dma_wait3A_17 = tpu.memref_squeeze %dma_wait3A_16 : memref<1x13312xi32, #tpu.memory_space<hbm>> -> memref<13312xi32, #tpu.memory_space<hbm>>
      tpu.wait_dma2 semaphore(%run_scoped3A : memref<!tpu.dma_semaphore, #tpu.memory_space<semaphore_mem>>) src(%dma_wait3A_17 : memref<13312xi32, #tpu.memory_space<hbm>>) dst(%arg6 : memref<13312xi32, #tpu.memory_space<vmem>>)
      tpu.yield
    }) : () -> ()
    %scan3A = arith.constant 0 : i32
    %scan3A_1 = arith.constant 0 : i32
    %scan3A_2 = arith.constant 32 : i32
    %scan3A_3 = arith.addi %scan3A_1, %scan3A_2 : i32
    %scan3A_4 = arith.constant 1 : i32
    scf.for %scan3A_8 = %scan3A_1 to %scan3A_3 step %scan3A_4  : i32 {
      %broadcast_in_dim3A = arith.constant 0.000000e+00 : f32
      %broadcast_in_dim3A_9 = vector.broadcast %broadcast_in_dim3A : f32 to vector<16xf32>
      %mul3A_10 = arith.constant 16 : i32
      %mul3A_11 = arith.muli %scan3A_8, %mul3A_10 : i32
      %add3A_12 = arith.constant 0 : i32
      %add3A_13 = arith.addi %add3A_12, %mul3A_11 : i32
      %get3A = arith.index_cast %add3A_13 : i32 to index
      %get3A_14 = tpu.vector_load %arg6[%get3A] {strides = array<i32>} : memref<13312xi32, #tpu.memory_space<vmem>>, vector<16xi32>,
      %gather3A = tpu.vector_load_idx %arg5[%get3A_14] : memref<26000xf32, #tpu.memory_space<vmem>>[vector<16xi32>], vector<16xf32>,
      %add3A_15 = arith.addf %broadcast_in_dim3A_9, %gather3A : vector<16xf32>
      %mul3A_16 = arith.constant 16 : i32
      %mul3A_17 = arith.muli %scan3A_8, %mul3A_16 : i32
      %add3A_18 = arith.constant 512 : i32
      %add3A_19 = arith.addi %add3A_18, %mul3A_17 : i32
      %get3A_20 = arith.index_cast %add3A_19 : i32 to index
      %get3A_21 = tpu.vector_load %arg6[%get3A_20] {strides = array<i32>} : memref<13312xi32, #tpu.memory_space<vmem>>, vector<16xi32>,
      %gather3A_22 = tpu.vector_load_idx %arg5[%get3A_21] : memref<26000xf32, #tpu.memory_space<vmem>>[vector<16xi32>], vector<16xf32>,
      %add3A_23 = arith.addf %add3A_15, %gather3A_22 : vector<16xf32>
      %mul3A_24 = arith.constant 16 : i32
      %mul3A_25 = arith.muli %scan3A_8, %mul3A_24 : i32
      %add3A_26 = arith.constant 1024 : i32
      %add3A_27 = arith.addi %add3A_26, %mul3A_25 : i32
      %get3A_28 = arith.index_cast %add3A_27 : i32 to index
      %get3A_29 = tpu.vector_load %arg6[%get3A_28] {strides = array<i32>} : memref<13312xi32, #tpu.memory_space<vmem>>, vector<16xi32>,
      %gather3A_30 = tpu.vector_load_idx %arg5[%get3A_29] : memref<26000xf32, #tpu.memory_space<vmem>>[vector<16xi32>], vector<16xf32>,
      %add3A_31 = arith.addf %add3A_23, %gather3A_30 : vector<16xf32>
      %mul3A_32 = arith.constant 16 : i32
      %mul3A_33 = arith.muli %scan3A_8, %mul3A_32 : i32
      %add3A_34 = arith.constant 1536 : i32
      %add3A_35 = arith.addi %add3A_34, %mul3A_33 : i32
      %get3A_36 = arith.index_cast %add3A_35 : i32 to index
      %get3A_37 = tpu.vector_load %arg6[%get3A_36] {strides = array<i32>} : memref<13312xi32, #tpu.memory_space<vmem>>, vector<16xi32>,
      %gather3A_38 = tpu.vector_load_idx %arg5[%get3A_37] : memref<26000xf32, #tpu.memory_space<vmem>>[vector<16xi32>], vector<16xf32>,
      %add3A_39 = arith.addf %add3A_31, %gather3A_38 : vector<16xf32>
      %mul3A_40 = arith.constant 16 : i32
      %mul3A_41 = arith.muli %scan3A_8, %mul3A_40 : i32
      %add3A_42 = arith.constant 2048 : i32
      %add3A_43 = arith.addi %add3A_42, %mul3A_41 : i32
      %get3A_44 = arith.index_cast %add3A_43 : i32 to index
      %get3A_45 = tpu.vector_load %arg6[%get3A_44] {strides = array<i32>} : memref<13312xi32, #tpu.memory_space<vmem>>, vector<16xi32>,
      %gather3A_46 = tpu.vector_load_idx %arg5[%get3A_45] : memref<26000xf32, #tpu.memory_space<vmem>>[vector<16xi32>], vector<16xf32>,
      %add3A_47 = arith.addf %add3A_39, %gather3A_46 : vector<16xf32>
      %mul3A_48 = arith.constant 16 : i32
      %mul3A_49 = arith.muli %scan3A_8, %mul3A_48 : i32
      %add3A_50 = arith.constant 2560 : i32
      %add3A_51 = arith.addi %add3A_50, %mul3A_49 : i32
      %get3A_52 = arith.index_cast %add3A_51 : i32 to index
      %get3A_53 = tpu.vector_load %arg6[%get3A_52] {strides = array<i32>} : memref<13312xi32, #tpu.memory_space<vmem>>, vector<16xi32>,
      %gather3A_54 = tpu.vector_load_idx %arg5[%get3A_53] : memref<26000xf32, #tpu.memory_space<vmem>>[vector<16xi32>], vector<16xf32>,
      %add3A_55 = arith.addf %add3A_47, %gather3A_54 : vector<16xf32>
      %mul3A_56 = arith.constant 16 : i32
      %mul3A_57 = arith.muli %scan3A_8, %mul3A_56 : i32
      %add3A_58 = arith.constant 3072 : i32
      %add3A_59 = arith.addi %add3A_58, %mul3A_57 : i32
      %get3A_60 = arith.index_cast %add3A_59 : i32 to index
      %get3A_61 = tpu.vector_load %arg6[%get3A_60] {strides = array<i32>} : memref<13312xi32, #tpu.memory_space<vmem>>, vector<16xi32>,
      %gather3A_62 = tpu.vector_load_idx %arg5[%get3A_61] : memref<26000xf32, #tpu.memory_space<vmem>>[vector<16xi32>], vector<16xf32>,
      %add3A_63 = arith.addf %add3A_55, %gather3A_62 : vector<16xf32>
      %mul3A_64 = arith.constant 16 : i32
      %mul3A_65 = arith.muli %scan3A_8, %mul3A_64 : i32
      %add3A_66 = arith.constant 3584 : i32
      %add3A_67 = arith.addi %add3A_66, %mul3A_65 : i32
      %get3A_68 = arith.index_cast %add3A_67 : i32 to index
      %get3A_69 = tpu.vector_load %arg6[%get3A_68] {strides = array<i32>} : memref<13312xi32, #tpu.memory_space<vmem>>, vector<16xi32>,
      %gather3A_70 = tpu.vector_load_idx %arg5[%get3A_69] : memref<26000xf32, #tpu.memory_space<vmem>>[vector<16xi32>], vector<16xf32>,
      %add3A_71 = arith.addf %add3A_63, %gather3A_70 : vector<16xf32>
      %mul3A_72 = arith.constant 16 : i32
      %mul3A_73 = arith.muli %scan3A_8, %mul3A_72 : i32
      %add3A_74 = arith.constant 4096 : i32
      %add3A_75 = arith.addi %add3A_74, %mul3A_73 : i32
      %get3A_76 = arith.index_cast %add3A_75 : i32 to index
      %get3A_77 = tpu.vector_load %arg6[%get3A_76] {strides = array<i32>} : memref<13312xi32, #tpu.memory_space<vmem>>, vector<16xi32>,
      %gather3A_78 = tpu.vector_load_idx %arg5[%get3A_77] : memref<26000xf32, #tpu.memory_space<vmem>>[vector<16xi32>], vector<16xf32>,
      %add3A_79 = arith.addf %add3A_71, %gather3A_78 : vector<16xf32>
      %mul3A_80 = arith.constant 16 : i32
      %mul3A_81 = arith.muli %scan3A_8, %mul3A_80 : i32
      %add3A_82 = arith.constant 4608 : i32
      %add3A_83 = arith.addi %add3A_82, %mul3A_81 : i32
      %get3A_84 = arith.index_cast %add3A_83 : i32 to index
      %get3A_85 = tpu.vector_load %arg6[%get3A_84] {strides = array<i32>} : memref<13312xi32, #tpu.memory_space<vmem>>, vector<16xi32>,
      %gather3A_86 = tpu.vector_load_idx %arg5[%get3A_85] : memref<26000xf32, #tpu.memory_space<vmem>>[vector<16xi32>], vector<16xf32>,
      %add3A_87 = arith.addf %add3A_79, %gather3A_86 : vector<16xf32>
      %mul3A_88 = arith.constant 16 : i32
      %mul3A_89 = arith.muli %scan3A_8, %mul3A_88 : i32
      %add3A_90 = arith.constant 5120 : i32
      %add3A_91 = arith.addi %add3A_90, %mul3A_89 : i32
      %get3A_92 = arith.index_cast %add3A_91 : i32 to index
      %get3A_93 = tpu.vector_load %arg6[%get3A_92] {strides = array<i32>} : memref<13312xi32, #tpu.memory_space<vmem>>, vector<16xi32>,
      %gather3A_94 = tpu.vector_load_idx %arg5[%get3A_93] : memref<26000xf32, #tpu.memory_space<vmem>>[vector<16xi32>], vector<16xf32>,
      %add3A_95 = arith.addf %add3A_87, %gather3A_94 : vector<16xf32>
      %mul3A_96 = arith.constant 16 : i32
      %mul3A_97 = arith.muli %scan3A_8, %mul3A_96 : i32
      %add3A_98 = arith.constant 5632 : i32
      %add3A_99 = arith.addi %add3A_98, %mul3A_97 : i32
      %get3A_100 = arith.index_cast %add3A_99 : i32 to index
      %get3A_101 = tpu.vector_load %arg6[%get3A_100] {strides = array<i32>} : memref<13312xi32, #tpu.memory_space<vmem>>, vector<16xi32>,
      %gather3A_102 = tpu.vector_load_idx %arg5[%get3A_101] : memref<26000xf32, #tpu.memory_space<vmem>>[vector<16xi32>], vector<16xf32>,
      %add3A_103 = arith.addf %add3A_95, %gather3A_102 : vector<16xf32>
      %mul3A_104 = arith.constant 16 : i32
      %mul3A_105 = arith.muli %scan3A_8, %mul3A_104 : i32
      %add3A_106 = arith.constant 6144 : i32
      %add3A_107 = arith.addi %add3A_106, %mul3A_105 : i32
      %get3A_108 = arith.index_cast %add3A_107 : i32 to index
      %get3A_109 = tpu.vector_load %arg6[%get3A_108] {strides = array<i32>} : memref<13312xi32, #tpu.memory_space<vmem>>, vector<16xi32>,
      %gather3A_110 = tpu.vector_load_idx %arg5[%get3A_109] : memref<26000xf32, #tpu.memory_space<vmem>>[vector<16xi32>], vector<16xf32>,
      %add3A_111 = arith.addf %add3A_103, %gather3A_110 : vector<16xf32>
      %mul3A_112 = arith.constant 16 : i32
      %mul3A_113 = arith.muli %scan3A_8, %mul3A_112 : i32
      %add3A_114 = arith.constant 6656 : i32
      %add3A_115 = arith.addi %add3A_114, %mul3A_113 : i32
      %get3A_116 = arith.index_cast %add3A_115 : i32 to index
      %get3A_117 = tpu.vector_load %arg6[%get3A_116] {strides = array<i32>} : memref<13312xi32, #tpu.memory_space<vmem>>, vector<16xi32>,
      %gather3A_118 = tpu.vector_load_idx %arg5[%get3A_117] : memref<26000xf32, #tpu.memory_space<vmem>>[vector<16xi32>], vector<16xf32>,
      %add3A_119 = arith.addf %add3A_111, %gather3A_118 : vector<16xf32>
      %mul3A_120 = arith.constant 16 : i32
      %mul3A_121 = arith.muli %scan3A_8, %mul3A_120 : i32
      %add3A_122 = arith.constant 7168 : i32
      %add3A_123 = arith.addi %add3A_122, %mul3A_121 : i32
      %get3A_124 = arith.index_cast %add3A_123 : i32 to index
      %get3A_125 = tpu.vector_load %arg6[%get3A_124] {strides = array<i32>} : memref<13312xi32, #tpu.memory_space<vmem>>, vector<16xi32>,
      %gather3A_126 = tpu.vector_load_idx %arg5[%get3A_125] : memref<26000xf32, #tpu.memory_space<vmem>>[vector<16xi32>], vector<16xf32>,
      %add3A_127 = arith.addf %add3A_119, %gather3A_126 : vector<16xf32>
      %mul3A_128 = arith.constant 16 : i32
      %mul3A_129 = arith.muli %scan3A_8, %mul3A_128 : i32
      %add3A_130 = arith.constant 7680 : i32
      %add3A_131 = arith.addi %add3A_130, %mul3A_129 : i32
      %get3A_132 = arith.index_cast %add3A_131 : i32 to index
      %get3A_133 = tpu.vector_load %arg6[%get3A_132] {strides = array<i32>} : memref<13312xi32, #tpu.memory_space<vmem>>, vector<16xi32>,
      %gather3A_134 = tpu.vector_load_idx %arg5[%get3A_133] : memref<26000xf32, #tpu.memory_space<vmem>>[vector<16xi32>], vector<16xf32>,
      %add3A_135 = arith.addf %add3A_127, %gather3A_134 : vector<16xf32>
      %mul3A_136 = arith.constant 16 : i32
      %mul3A_137 = arith.muli %scan3A_8, %mul3A_136 : i32
      %add3A_138 = arith.constant 8192 : i32
      %add3A_139 = arith.addi %add3A_138, %mul3A_137 : i32
      %get3A_140 = arith.index_cast %add3A_139 : i32 to index
      %get3A_141 = tpu.vector_load %arg6[%get3A_140] {strides = array<i32>} : memref<13312xi32, #tpu.memory_space<vmem>>, vector<16xi32>,
      %gather3A_142 = tpu.vector_load_idx %arg5[%get3A_141] : memref<26000xf32, #tpu.memory_space<vmem>>[vector<16xi32>], vector<16xf32>,
      %add3A_143 = arith.addf %add3A_135, %gather3A_142 : vector<16xf32>
      %mul3A_144 = arith.constant 16 : i32
      %mul3A_145 = arith.muli %scan3A_8, %mul3A_144 : i32
      %add3A_146 = arith.constant 8704 : i32
      %add3A_147 = arith.addi %add3A_146, %mul3A_145 : i32
      %get3A_148 = arith.index_cast %add3A_147 : i32 to index
      %get3A_149 = tpu.vector_load %arg6[%get3A_148] {strides = array<i32>} : memref<13312xi32, #tpu.memory_space<vmem>>, vector<16xi32>,
      %gather3A_150 = tpu.vector_load_idx %arg5[%get3A_149] : memref<26000xf32, #tpu.memory_space<vmem>>[vector<16xi32>], vector<16xf32>,
      %add3A_151 = arith.addf %add3A_143, %gather3A_150 : vector<16xf32>
      %mul3A_152 = arith.constant 16 : i32
      %mul3A_153 = arith.muli %scan3A_8, %mul3A_152 : i32
      %add3A_154 = arith.constant 9216 : i32
      %add3A_155 = arith.addi %add3A_154, %mul3A_153 : i32
      %get3A_156 = arith.index_cast %add3A_155 : i32 to index
      %get3A_157 = tpu.vector_load %arg6[%get3A_156] {strides = array<i32>} : memref<13312xi32, #tpu.memory_space<vmem>>, vector<16xi32>,
      %gather3A_158 = tpu.vector_load_idx %arg5[%get3A_157] : memref<26000xf32, #tpu.memory_space<vmem>>[vector<16xi32>], vector<16xf32>,
      %add3A_159 = arith.addf %add3A_151, %gather3A_158 : vector<16xf32>
      %mul3A_160 = arith.constant 16 : i32
      %mul3A_161 = arith.muli %scan3A_8, %mul3A_160 : i32
      %add3A_162 = arith.constant 9728 : i32
      %add3A_163 = arith.addi %add3A_162, %mul3A_161 : i32
      %get3A_164 = arith.index_cast %add3A_163 : i32 to index
      %get3A_165 = tpu.vector_load %arg6[%get3A_164] {strides = array<i32>} : memref<13312xi32, #tpu.memory_space<vmem>>, vector<16xi32>,
      %gather3A_166 = tpu.vector_load_idx %arg5[%get3A_165] : memref<26000xf32, #tpu.memory_space<vmem>>[vector<16xi32>], vector<16xf32>,
      %add3A_167 = arith.addf %add3A_159, %gather3A_166 : vector<16xf32>
      %mul3A_168 = arith.constant 16 : i32
      %mul3A_169 = arith.muli %scan3A_8, %mul3A_168 : i32
      %add3A_170 = arith.constant 10240 : i32
      %add3A_171 = arith.addi %add3A_170, %mul3A_169 : i32
      %get3A_172 = arith.index_cast %add3A_171 : i32 to index
      %get3A_173 = tpu.vector_load %arg6[%get3A_172] {strides = array<i32>} : memref<13312xi32, #tpu.memory_space<vmem>>, vector<16xi32>,
      %gather3A_174 = tpu.vector_load_idx %arg5[%get3A_173] : memref<26000xf32, #tpu.memory_space<vmem>>[vector<16xi32>], vector<16xf32>,
      %add3A_175 = arith.addf %add3A_167, %gather3A_174 : vector<16xf32>
      %mul3A_176 = arith.constant 16 : i32
      %mul3A_177 = arith.muli %scan3A_8, %mul3A_176 : i32
      %add3A_178 = arith.constant 10752 : i32
      %add3A_179 = arith.addi %add3A_178, %mul3A_177 : i32
      %get3A_180 = arith.index_cast %add3A_179 : i32 to index
      %get3A_181 = tpu.vector_load %arg6[%get3A_180] {strides = array<i32>} : memref<13312xi32, #tpu.memory_space<vmem>>, vector<16xi32>,
      %gather3A_182 = tpu.vector_load_idx %arg5[%get3A_181] : memref<26000xf32, #tpu.memory_space<vmem>>[vector<16xi32>], vector<16xf32>,
      %add3A_183 = arith.addf %add3A_175, %gather3A_182 : vector<16xf32>
      %mul3A_184 = arith.constant 16 : i32
      %mul3A_185 = arith.muli %scan3A_8, %mul3A_184 : i32
      %add3A_186 = arith.constant 11264 : i32
      %add3A_187 = arith.addi %add3A_186, %mul3A_185 : i32
      %get3A_188 = arith.index_cast %add3A_187 : i32 to index
      %get3A_189 = tpu.vector_load %arg6[%get3A_188] {strides = array<i32>} : memref<13312xi32, #tpu.memory_space<vmem>>, vector<16xi32>,
      %gather3A_190 = tpu.vector_load_idx %arg5[%get3A_189] : memref<26000xf32, #tpu.memory_space<vmem>>[vector<16xi32>], vector<16xf32>,
      %add3A_191 = arith.addf %add3A_183, %gather3A_190 : vector<16xf32>
      %mul3A_192 = arith.constant 16 : i32
      %mul3A_193 = arith.muli %scan3A_8, %mul3A_192 : i32
      %add3A_194 = arith.constant 11776 : i32
      %add3A_195 = arith.addi %add3A_194, %mul3A_193 : i32
      %get3A_196 = arith.index_cast %add3A_195 : i32 to index
      %get3A_197 = tpu.vector_load %arg6[%get3A_196] {strides = array<i32>} : memref<13312xi32, #tpu.memory_space<vmem>>, vector<16xi32>,
      %gather3A_198 = tpu.vector_load_idx %arg5[%get3A_197] : memref<26000xf32, #tpu.memory_space<vmem>>[vector<16xi32>], vector<16xf32>,
      %add3A_199 = arith.addf %add3A_191, %gather3A_198 : vector<16xf32>
      %mul3A_200 = arith.constant 16 : i32
      %mul3A_201 = arith.muli %scan3A_8, %mul3A_200 : i32
      %add3A_202 = arith.constant 12288 : i32
      %add3A_203 = arith.addi %add3A_202, %mul3A_201 : i32
      %get3A_204 = arith.index_cast %add3A_203 : i32 to index
      %get3A_205 = tpu.vector_load %arg6[%get3A_204] {strides = array<i32>} : memref<13312xi32, #tpu.memory_space<vmem>>, vector<16xi32>,
      %gather3A_206 = tpu.vector_load_idx %arg5[%get3A_205] : memref<26000xf32, #tpu.memory_space<vmem>>[vector<16xi32>], vector<16xf32>,
      %add3A_207 = arith.addf %add3A_199, %gather3A_206 : vector<16xf32>
      %mul3A_208 = arith.constant 16 : i32
      %mul3A_209 = arith.muli %scan3A_8, %mul3A_208 : i32
      %add3A_210 = arith.constant 12800 : i32
      %add3A_211 = arith.addi %add3A_210, %mul3A_209 : i32
      %get3A_212 = arith.index_cast %add3A_211 : i32 to index
      %get3A_213 = tpu.vector_load %arg6[%get3A_212] {strides = array<i32>} : memref<13312xi32, #tpu.memory_space<vmem>>, vector<16xi32>,
      %gather3A_214 = tpu.vector_load_idx %arg5[%get3A_213] : memref<26000xf32, #tpu.memory_space<vmem>>[vector<16xi32>], vector<16xf32>,
      %add3A_215 = arith.addf %add3A_207, %gather3A_214 : vector<16xf32>
      %mul3A_216 = arith.constant 16 : i32
      %mul3A_217 = arith.muli %scan3A_8, %mul3A_216 : i32
      %swap3A = arith.index_cast %mul3A_217 : i32 to index
      %swap3A_218 = tpu.vector_load %arg7[%swap3A] {strides = array<i32>} : memref<512xf32, #tpu.memory_space<vmem>>, vector<16xf32>,
      tpu.vector_store %arg7[%swap3A], %add3A_215 {strides = array<i32>} : memref<512xf32, #tpu.memory_space<vmem>>, vector<16xf32>,
    }
    %scan3A_5 = arith.constant 32 : i32
    %mul3A_6 = arith.constant 512 : i32
    %mul3A_7 = arith.muli %add3A, %mul3A_6 : i32
    "tpu.region"() ({
      %run_scoped3A = tpu.sem_alloc : memref<!tpu.dma_semaphore, #tpu.memory_space<semaphore_mem>>
      %dma_start3A = tpu.memref_slice %arg4[%mul3A_7] : memref<16384xf32, #tpu.memory_space<hbm>> -> memref<512xf32, #tpu.memory_space<hbm>>
      %dma_start3A_8 = tpu.memref_slice %arg4[%mul3A_7] : memref<16384xf32, #tpu.memory_space<hbm>> -> memref<512xf32, #tpu.memory_space<hbm>>
      tpu.enqueue_dma source(%arg7 : memref<512xf32, #tpu.memory_space<vmem>>) target(%dma_start3A_8 : memref<512xf32, #tpu.memory_space<hbm>>) target_semaphore(%run_scoped3A : memref<!tpu.dma_semaphore, #tpu.memory_space<semaphore_mem>>)
      %dma_wait3A = tpu.memref_slice %arg4[%mul3A_7] : memref<16384xf32, #tpu.memory_space<hbm>> -> memref<512xf32, #tpu.memory_space<hbm>>
      %dma_wait3A_9 = tpu.memref_slice %arg4[%mul3A_7] : memref<16384xf32, #tpu.memory_space<hbm>> -> memref<512xf32, #tpu.memory_space<hbm>>
      tpu.wait_dma2 semaphore(%run_scoped3A : memref<!tpu.dma_semaphore, #tpu.memory_space<semaphore_mem>>) src(%arg7 : memref<512xf32, #tpu.memory_space<vmem>>) dst(%dma_wait3A_9 : memref<512xf32, #tpu.memory_space<hbm>>)
      tpu.yield
    }) : () -> ()
    return
  }
}

module attributes {stable_mosaic.version = 14 : i64} {
  func.func @_rowsum_body(%arg0: i32, %arg1: memref<1xf32, #tpu.memory_space<smem>>, %arg2: memref<13x1000x128xf32, #tpu.memory_space<vmem>>, %arg3: memref<13x1x1000xf32, #tpu.memory_space<vmem>>) attributes {dimension_semantics = [#tpu.dimension_semantics<arbitrary>], iteration_bounds = array<i64: 2>, scalar_prefetch = 0 : i64, scratch_operands = 0 : i64, tpu.core_type = #tpu.core_type<tc>, window_params = [{transform_indices = @transform_0, window_bounds = array<i64: 1>}, {transform_indices = @transform_1, window_bounds = array<i64: 13, 1000, 128>}, {transform_indices = @transform_2, window_bounds = array<i64: 13, 1, 1000>}]} {
    %broadcast_in_dim3A = arith.constant 1.000000e+00 : f32
    %broadcast_in_dim3A_0 = vector.broadcast %broadcast_in_dim3A : f32 to vector<1x128xf32>
    %get3A = arith.constant 0 : index
    %get3A_1 = arith.constant 0 : index
    %get3A_2 = arith.constant 0 : index
    %get3A_3 = vector.load %arg2[%get3A, %get3A_1, %get3A_2] : memref<13x1000x128xf32, #tpu.memory_space<vmem>>, vector<1x1000x128xf32>
    %get3A_4 = vector.shape_cast %get3A_3 : vector<1x1000x128xf32> to vector<1000x128xf32>
    %dot_general3A = arith.constant dense<0.000000e+00> : vector<1x1000xf32>
    %dot_general3A_5 = tpu.matmul %broadcast_in_dim3A_0, %get3A_4, %dot_general3A {dimension_numbers = #tpu.dot_dimension_numbers<[1], [1], [0], [0], [0, 0, 1, 0], [], []>, transpose_lhs_hint = false} : vector<1x128xf32>, vector<1000x128xf32>, vector<1x1000xf32> -> vector<1x1000xf32>
    %eq3A = arith.constant 0 : i32
    %eq3A_6 = arith.cmpi eq, %arg0, %eq3A : i32
    %get3A_7 = arith.constant 0 : index
    %get3A_8 = memref.load %arg1[%get3A_7] : memref<1xf32, #tpu.memory_space<smem>>
    %add3A = vector.broadcast %get3A_8 : f32 to vector<1x1000xf32>
    %add3A_9 = arith.addf %dot_general3A_5, %add3A : vector<1x1000xf32>
    %select_n3A = arith.select %eq3A_6, %add3A_9, %dot_general3A_5 : vector<1x1000xf32>
    %swap3A = arith.constant 0 : index
    %swap3A_10 = arith.constant 0 : index
    %swap3A_11 = arith.constant 0 : index
    %swap3A_12 = vector.load %arg3[%swap3A, %swap3A_10, %swap3A_11] : memref<13x1x1000xf32, #tpu.memory_space<vmem>>, vector<1x1x1000xf32>
    %swap3A_13 = vector.shape_cast %swap3A_12 : vector<1x1x1000xf32> to vector<1x1000xf32>
    %swap3A_14 = vector.shape_cast %select_n3A : vector<1x1000xf32> to vector<1x1x1000xf32>
    tpu.vector_store %arg3[%swap3A, %swap3A_10, %swap3A_11], %swap3A_14 {strides = array<i32>} : memref<13x1x1000xf32, #tpu.memory_space<vmem>>, vector<1x1x1000xf32>,
    %get3A_15 = arith.constant 1 : index
    %get3A_16 = arith.constant 0 : index
    %get3A_17 = arith.constant 0 : index
    %get3A_18 = vector.load %arg2[%get3A_15, %get3A_16, %get3A_17] : memref<13x1000x128xf32, #tpu.memory_space<vmem>>, vector<1x1000x128xf32>
    %get3A_19 = vector.shape_cast %get3A_18 : vector<1x1000x128xf32> to vector<1000x128xf32>
    %dot_general3A_20 = arith.constant dense<0.000000e+00> : vector<1x1000xf32>
    %dot_general3A_21 = tpu.matmul %broadcast_in_dim3A_0, %get3A_19, %dot_general3A_20 {dimension_numbers = #tpu.dot_dimension_numbers<[1], [1], [0], [0], [0, 0, 1, 0], [], []>, transpose_lhs_hint = false} : vector<1x128xf32>, vector<1000x128xf32>, vector<1x1000xf32> -> vector<1x1000xf32>
    %swap3A_22 = arith.constant 1 : index
    %swap3A_23 = arith.constant 0 : index
    %swap3A_24 = arith.constant 0 : index
    %swap3A_25 = vector.load %arg3[%swap3A_22, %swap3A_23, %swap3A_24] : memref<13x1x1000xf32, #tpu.memory_space<vmem>>, vector<1x1x1000xf32>
    %swap3A_26 = vector.shape_cast %swap3A_25 : vector<1x1x1000xf32> to vector<1x1000xf32>
    %swap3A_27 = vector.shape_cast %dot_general3A_21 : vector<1x1000xf32> to vector<1x1x1000xf32>
    tpu.vector_store %arg3[%swap3A_22, %swap3A_23, %swap3A_24], %swap3A_27 {strides = array<i32>} : memref<13x1x1000xf32, #tpu.memory_space<vmem>>, vector<1x1x1000xf32>,
    %get3A_28 = arith.constant 2 : index
    %get3A_29 = arith.constant 0 : index
    %get3A_30 = arith.constant 0 : index
    %get3A_31 = vector.load %arg2[%get3A_28, %get3A_29, %get3A_30] : memref<13x1000x128xf32, #tpu.memory_space<vmem>>, vector<1x1000x128xf32>
    %get3A_32 = vector.shape_cast %get3A_31 : vector<1x1000x128xf32> to vector<1000x128xf32>
    %dot_general3A_33 = arith.constant dense<0.000000e+00> : vector<1x1000xf32>
    %dot_general3A_34 = tpu.matmul %broadcast_in_dim3A_0, %get3A_32, %dot_general3A_33 {dimension_numbers = #tpu.dot_dimension_numbers<[1], [1], [0], [0], [0, 0, 1, 0], [], []>, transpose_lhs_hint = false} : vector<1x128xf32>, vector<1000x128xf32>, vector<1x1000xf32> -> vector<1x1000xf32>
    %swap3A_35 = arith.constant 2 : index
    %swap3A_36 = arith.constant 0 : index
    %swap3A_37 = arith.constant 0 : index
    %swap3A_38 = vector.load %arg3[%swap3A_35, %swap3A_36, %swap3A_37] : memref<13x1x1000xf32, #tpu.memory_space<vmem>>, vector<1x1x1000xf32>
    %swap3A_39 = vector.shape_cast %swap3A_38 : vector<1x1x1000xf32> to vector<1x1000xf32>
    %swap3A_40 = vector.shape_cast %dot_general3A_34 : vector<1x1000xf32> to vector<1x1x1000xf32>
    tpu.vector_store %arg3[%swap3A_35, %swap3A_36, %swap3A_37], %swap3A_40 {strides = array<i32>} : memref<13x1x1000xf32, #tpu.memory_space<vmem>>, vector<1x1x1000xf32>,
    %get3A_41 = arith.constant 3 : index
    %get3A_42 = arith.constant 0 : index
    %get3A_43 = arith.constant 0 : index
    %get3A_44 = vector.load %arg2[%get3A_41, %get3A_42, %get3A_43] : memref<13x1000x128xf32, #tpu.memory_space<vmem>>, vector<1x1000x128xf32>
    %get3A_45 = vector.shape_cast %get3A_44 : vector<1x1000x128xf32> to vector<1000x128xf32>
    %dot_general3A_46 = arith.constant dense<0.000000e+00> : vector<1x1000xf32>
    %dot_general3A_47 = tpu.matmul %broadcast_in_dim3A_0, %get3A_45, %dot_general3A_46 {dimension_numbers = #tpu.dot_dimension_numbers<[1], [1], [0], [0], [0, 0, 1, 0], [], []>, transpose_lhs_hint = false} : vector<1x128xf32>, vector<1000x128xf32>, vector<1x1000xf32> -> vector<1x1000xf32>
    %swap3A_48 = arith.constant 3 : index
    %swap3A_49 = arith.constant 0 : index
    %swap3A_50 = arith.constant 0 : index
    %swap3A_51 = vector.load %arg3[%swap3A_48, %swap3A_49, %swap3A_50] : memref<13x1x1000xf32, #tpu.memory_space<vmem>>, vector<1x1x1000xf32>
    %swap3A_52 = vector.shape_cast %swap3A_51 : vector<1x1x1000xf32> to vector<1x1000xf32>
    %swap3A_53 = vector.shape_cast %dot_general3A_47 : vector<1x1000xf32> to vector<1x1x1000xf32>
    tpu.vector_store %arg3[%swap3A_48, %swap3A_49, %swap3A_50], %swap3A_53 {strides = array<i32>} : memref<13x1x1000xf32, #tpu.memory_space<vmem>>, vector<1x1x1000xf32>,
    %get3A_54 = arith.constant 4 : index
    %get3A_55 = arith.constant 0 : index
    %get3A_56 = arith.constant 0 : index
    %get3A_57 = vector.load %arg2[%get3A_54, %get3A_55, %get3A_56] : memref<13x1000x128xf32, #tpu.memory_space<vmem>>, vector<1x1000x128xf32>
    %get3A_58 = vector.shape_cast %get3A_57 : vector<1x1000x128xf32> to vector<1000x128xf32>
    %dot_general3A_59 = arith.constant dense<0.000000e+00> : vector<1x1000xf32>
    %dot_general3A_60 = tpu.matmul %broadcast_in_dim3A_0, %get3A_58, %dot_general3A_59 {dimension_numbers = #tpu.dot_dimension_numbers<[1], [1], [0], [0], [0, 0, 1, 0], [], []>, transpose_lhs_hint = false} : vector<1x128xf32>, vector<1000x128xf32>, vector<1x1000xf32> -> vector<1x1000xf32>
    %swap3A_61 = arith.constant 4 : index
    %swap3A_62 = arith.constant 0 : index
    %swap3A_63 = arith.constant 0 : index
    %swap3A_64 = vector.load %arg3[%swap3A_61, %swap3A_62, %swap3A_63] : memref<13x1x1000xf32, #tpu.memory_space<vmem>>, vector<1x1x1000xf32>
    %swap3A_65 = vector.shape_cast %swap3A_64 : vector<1x1x1000xf32> to vector<1x1000xf32>
    %swap3A_66 = vector.shape_cast %dot_general3A_60 : vector<1x1000xf32> to vector<1x1x1000xf32>
    tpu.vector_store %arg3[%swap3A_61, %swap3A_62, %swap3A_63], %swap3A_66 {strides = array<i32>} : memref<13x1x1000xf32, #tpu.memory_space<vmem>>, vector<1x1x1000xf32>,
    %get3A_67 = arith.constant 5 : index
    %get3A_68 = arith.constant 0 : index
    %get3A_69 = arith.constant 0 : index
    %get3A_70 = vector.load %arg2[%get3A_67, %get3A_68, %get3A_69] : memref<13x1000x128xf32, #tpu.memory_space<vmem>>, vector<1x1000x128xf32>
    %get3A_71 = vector.shape_cast %get3A_70 : vector<1x1000x128xf32> to vector<1000x128xf32>
    %dot_general3A_72 = arith.constant dense<0.000000e+00> : vector<1x1000xf32>
    %dot_general3A_73 = tpu.matmul %broadcast_in_dim3A_0, %get3A_71, %dot_general3A_72 {dimension_numbers = #tpu.dot_dimension_numbers<[1], [1], [0], [0], [0, 0, 1, 0], [], []>, transpose_lhs_hint = false} : vector<1x128xf32>, vector<1000x128xf32>, vector<1x1000xf32> -> vector<1x1000xf32>
    %swap3A_74 = arith.constant 5 : index
    %swap3A_75 = arith.constant 0 : index
    %swap3A_76 = arith.constant 0 : index
    %swap3A_77 = vector.load %arg3[%swap3A_74, %swap3A_75, %swap3A_76] : memref<13x1x1000xf32, #tpu.memory_space<vmem>>, vector<1x1x1000xf32>
    %swap3A_78 = vector.shape_cast %swap3A_77 : vector<1x1x1000xf32> to vector<1x1000xf32>
    %swap3A_79 = vector.shape_cast %dot_general3A_73 : vector<1x1000xf32> to vector<1x1x1000xf32>
    tpu.vector_store %arg3[%swap3A_74, %swap3A_75, %swap3A_76], %swap3A_79 {strides = array<i32>} : memref<13x1x1000xf32, #tpu.memory_space<vmem>>, vector<1x1x1000xf32>,
    %get3A_80 = arith.constant 6 : index
    %get3A_81 = arith.constant 0 : index
    %get3A_82 = arith.constant 0 : index
    %get3A_83 = vector.load %arg2[%get3A_80, %get3A_81, %get3A_82] : memref<13x1000x128xf32, #tpu.memory_space<vmem>>, vector<1x1000x128xf32>
    %get3A_84 = vector.shape_cast %get3A_83 : vector<1x1000x128xf32> to vector<1000x128xf32>
    %dot_general3A_85 = arith.constant dense<0.000000e+00> : vector<1x1000xf32>
    %dot_general3A_86 = tpu.matmul %broadcast_in_dim3A_0, %get3A_84, %dot_general3A_85 {dimension_numbers = #tpu.dot_dimension_numbers<[1], [1], [0], [0], [0, 0, 1, 0], [], []>, transpose_lhs_hint = false} : vector<1x128xf32>, vector<1000x128xf32>, vector<1x1000xf32> -> vector<1x1000xf32>
    %swap3A_87 = arith.constant 6 : index
    %swap3A_88 = arith.constant 0 : index
    %swap3A_89 = arith.constant 0 : index
    %swap3A_90 = vector.load %arg3[%swap3A_87, %swap3A_88, %swap3A_89] : memref<13x1x1000xf32, #tpu.memory_space<vmem>>, vector<1x1x1000xf32>
    %swap3A_91 = vector.shape_cast %swap3A_90 : vector<1x1x1000xf32> to vector<1x1000xf32>
    %swap3A_92 = vector.shape_cast %dot_general3A_86 : vector<1x1000xf32> to vector<1x1x1000xf32>
    tpu.vector_store %arg3[%swap3A_87, %swap3A_88, %swap3A_89], %swap3A_92 {strides = array<i32>} : memref<13x1x1000xf32, #tpu.memory_space<vmem>>, vector<1x1x1000xf32>,
    %get3A_93 = arith.constant 7 : index
    %get3A_94 = arith.constant 0 : index
    %get3A_95 = arith.constant 0 : index
    %get3A_96 = vector.load %arg2[%get3A_93, %get3A_94, %get3A_95] : memref<13x1000x128xf32, #tpu.memory_space<vmem>>, vector<1x1000x128xf32>
    %get3A_97 = vector.shape_cast %get3A_96 : vector<1x1000x128xf32> to vector<1000x128xf32>
    %dot_general3A_98 = arith.constant dense<0.000000e+00> : vector<1x1000xf32>
    %dot_general3A_99 = tpu.matmul %broadcast_in_dim3A_0, %get3A_97, %dot_general3A_98 {dimension_numbers = #tpu.dot_dimension_numbers<[1], [1], [0], [0], [0, 0, 1, 0], [], []>, transpose_lhs_hint = false} : vector<1x128xf32>, vector<1000x128xf32>, vector<1x1000xf32> -> vector<1x1000xf32>
    %swap3A_100 = arith.constant 7 : index
    %swap3A_101 = arith.constant 0 : index
    %swap3A_102 = arith.constant 0 : index
    %swap3A_103 = vector.load %arg3[%swap3A_100, %swap3A_101, %swap3A_102] : memref<13x1x1000xf32, #tpu.memory_space<vmem>>, vector<1x1x1000xf32>
    %swap3A_104 = vector.shape_cast %swap3A_103 : vector<1x1x1000xf32> to vector<1x1000xf32>
    %swap3A_105 = vector.shape_cast %dot_general3A_99 : vector<1x1000xf32> to vector<1x1x1000xf32>
    tpu.vector_store %arg3[%swap3A_100, %swap3A_101, %swap3A_102], %swap3A_105 {strides = array<i32>} : memref<13x1x1000xf32, #tpu.memory_space<vmem>>, vector<1x1x1000xf32>,
    %get3A_106 = arith.constant 8 : index
    %get3A_107 = arith.constant 0 : index
    %get3A_108 = arith.constant 0 : index
    %get3A_109 = vector.load %arg2[%get3A_106, %get3A_107, %get3A_108] : memref<13x1000x128xf32, #tpu.memory_space<vmem>>, vector<1x1000x128xf32>
    %get3A_110 = vector.shape_cast %get3A_109 : vector<1x1000x128xf32> to vector<1000x128xf32>
    %dot_general3A_111 = arith.constant dense<0.000000e+00> : vector<1x1000xf32>
    %dot_general3A_112 = tpu.matmul %broadcast_in_dim3A_0, %get3A_110, %dot_general3A_111 {dimension_numbers = #tpu.dot_dimension_numbers<[1], [1], [0], [0], [0, 0, 1, 0], [], []>, transpose_lhs_hint = false} : vector<1x128xf32>, vector<1000x128xf32>, vector<1x1000xf32> -> vector<1x1000xf32>
    %swap3A_113 = arith.constant 8 : index
    %swap3A_114 = arith.constant 0 : index
    %swap3A_115 = arith.constant 0 : index
    %swap3A_116 = vector.load %arg3[%swap3A_113, %swap3A_114, %swap3A_115] : memref<13x1x1000xf32, #tpu.memory_space<vmem>>, vector<1x1x1000xf32>
    %swap3A_117 = vector.shape_cast %swap3A_116 : vector<1x1x1000xf32> to vector<1x1000xf32>
    %swap3A_118 = vector.shape_cast %dot_general3A_112 : vector<1x1000xf32> to vector<1x1x1000xf32>
    tpu.vector_store %arg3[%swap3A_113, %swap3A_114, %swap3A_115], %swap3A_118 {strides = array<i32>} : memref<13x1x1000xf32, #tpu.memory_space<vmem>>, vector<1x1x1000xf32>,
    %get3A_119 = arith.constant 9 : index
    %get3A_120 = arith.constant 0 : index
    %get3A_121 = arith.constant 0 : index
    %get3A_122 = vector.load %arg2[%get3A_119, %get3A_120, %get3A_121] : memref<13x1000x128xf32, #tpu.memory_space<vmem>>, vector<1x1000x128xf32>
    %get3A_123 = vector.shape_cast %get3A_122 : vector<1x1000x128xf32> to vector<1000x128xf32>
    %dot_general3A_124 = arith.constant dense<0.000000e+00> : vector<1x1000xf32>
    %dot_general3A_125 = tpu.matmul %broadcast_in_dim3A_0, %get3A_123, %dot_general3A_124 {dimension_numbers = #tpu.dot_dimension_numbers<[1], [1], [0], [0], [0, 0, 1, 0], [], []>, transpose_lhs_hint = false} : vector<1x128xf32>, vector<1000x128xf32>, vector<1x1000xf32> -> vector<1x1000xf32>
    %swap3A_126 = arith.constant 9 : index
    %swap3A_127 = arith.constant 0 : index
    %swap3A_128 = arith.constant 0 : index
    %swap3A_129 = vector.load %arg3[%swap3A_126, %swap3A_127, %swap3A_128] : memref<13x1x1000xf32, #tpu.memory_space<vmem>>, vector<1x1x1000xf32>
    %swap3A_130 = vector.shape_cast %swap3A_129 : vector<1x1x1000xf32> to vector<1x1000xf32>
    %swap3A_131 = vector.shape_cast %dot_general3A_125 : vector<1x1000xf32> to vector<1x1x1000xf32>
    tpu.vector_store %arg3[%swap3A_126, %swap3A_127, %swap3A_128], %swap3A_131 {strides = array<i32>} : memref<13x1x1000xf32, #tpu.memory_space<vmem>>, vector<1x1x1000xf32>,
    %get3A_132 = arith.constant 10 : index
    %get3A_133 = arith.constant 0 : index
    %get3A_134 = arith.constant 0 : index
    %get3A_135 = vector.load %arg2[%get3A_132, %get3A_133, %get3A_134] : memref<13x1000x128xf32, #tpu.memory_space<vmem>>, vector<1x1000x128xf32>
    %get3A_136 = vector.shape_cast %get3A_135 : vector<1x1000x128xf32> to vector<1000x128xf32>
    %dot_general3A_137 = arith.constant dense<0.000000e+00> : vector<1x1000xf32>
    %dot_general3A_138 = tpu.matmul %broadcast_in_dim3A_0, %get3A_136, %dot_general3A_137 {dimension_numbers = #tpu.dot_dimension_numbers<[1], [1], [0], [0], [0, 0, 1, 0], [], []>, transpose_lhs_hint = false} : vector<1x128xf32>, vector<1000x128xf32>, vector<1x1000xf32> -> vector<1x1000xf32>
    %swap3A_139 = arith.constant 10 : index
    %swap3A_140 = arith.constant 0 : index
    %swap3A_141 = arith.constant 0 : index
    %swap3A_142 = vector.load %arg3[%swap3A_139, %swap3A_140, %swap3A_141] : memref<13x1x1000xf32, #tpu.memory_space<vmem>>, vector<1x1x1000xf32>
    %swap3A_143 = vector.shape_cast %swap3A_142 : vector<1x1x1000xf32> to vector<1x1000xf32>
    %swap3A_144 = vector.shape_cast %dot_general3A_138 : vector<1x1000xf32> to vector<1x1x1000xf32>
    tpu.vector_store %arg3[%swap3A_139, %swap3A_140, %swap3A_141], %swap3A_144 {strides = array<i32>} : memref<13x1x1000xf32, #tpu.memory_space<vmem>>, vector<1x1x1000xf32>,
    %get3A_145 = arith.constant 11 : index
    %get3A_146 = arith.constant 0 : index
    %get3A_147 = arith.constant 0 : index
    %get3A_148 = vector.load %arg2[%get3A_145, %get3A_146, %get3A_147] : memref<13x1000x128xf32, #tpu.memory_space<vmem>>, vector<1x1000x128xf32>
    %get3A_149 = vector.shape_cast %get3A_148 : vector<1x1000x128xf32> to vector<1000x128xf32>
    %dot_general3A_150 = arith.constant dense<0.000000e+00> : vector<1x1000xf32>
    %dot_general3A_151 = tpu.matmul %broadcast_in_dim3A_0, %get3A_149, %dot_general3A_150 {dimension_numbers = #tpu.dot_dimension_numbers<[1], [1], [0], [0], [0, 0, 1, 0], [], []>, transpose_lhs_hint = false} : vector<1x128xf32>, vector<1000x128xf32>, vector<1x1000xf32> -> vector<1x1000xf32>
    %swap3A_152 = arith.constant 11 : index
    %swap3A_153 = arith.constant 0 : index
    %swap3A_154 = arith.constant 0 : index
    %swap3A_155 = vector.load %arg3[%swap3A_152, %swap3A_153, %swap3A_154] : memref<13x1x1000xf32, #tpu.memory_space<vmem>>, vector<1x1x1000xf32>
    %swap3A_156 = vector.shape_cast %swap3A_155 : vector<1x1x1000xf32> to vector<1x1000xf32>
    %swap3A_157 = vector.shape_cast %dot_general3A_151 : vector<1x1000xf32> to vector<1x1x1000xf32>
    tpu.vector_store %arg3[%swap3A_152, %swap3A_153, %swap3A_154], %swap3A_157 {strides = array<i32>} : memref<13x1x1000xf32, #tpu.memory_space<vmem>>, vector<1x1x1000xf32>,
    %get3A_158 = arith.constant 12 : index
    %get3A_159 = arith.constant 0 : index
    %get3A_160 = arith.constant 0 : index
    %get3A_161 = vector.load %arg2[%get3A_158, %get3A_159, %get3A_160] : memref<13x1000x128xf32, #tpu.memory_space<vmem>>, vector<1x1000x128xf32>
    %get3A_162 = vector.shape_cast %get3A_161 : vector<1x1000x128xf32> to vector<1000x128xf32>
    %dot_general3A_163 = arith.constant dense<0.000000e+00> : vector<1x1000xf32>
    %dot_general3A_164 = tpu.matmul %broadcast_in_dim3A_0, %get3A_162, %dot_general3A_163 {dimension_numbers = #tpu.dot_dimension_numbers<[1], [1], [0], [0], [0, 0, 1, 0], [], []>, transpose_lhs_hint = false} : vector<1x128xf32>, vector<1000x128xf32>, vector<1x1000xf32> -> vector<1x1000xf32>
    %swap3A_165 = arith.constant 12 : index
    %swap3A_166 = arith.constant 0 : index
    %swap3A_167 = arith.constant 0 : index
    %swap3A_168 = vector.load %arg3[%swap3A_165, %swap3A_166, %swap3A_167] : memref<13x1x1000xf32, #tpu.memory_space<vmem>>, vector<1x1x1000xf32>
    %swap3A_169 = vector.shape_cast %swap3A_168 : vector<1x1x1000xf32> to vector<1x1000xf32>
    %swap3A_170 = vector.shape_cast %dot_general3A_164 : vector<1x1000xf32> to vector<1x1x1000xf32>
    tpu.vector_store %arg3[%swap3A_165, %swap3A_166, %swap3A_167], %swap3A_170 {strides = array<i32>} : memref<13x1x1000xf32, #tpu.memory_space<vmem>>, vector<1x1x1000xf32>,
    return
  }
  func.func @transform_0(%arg0: i32) -> i32 {
    %c0_i32 = arith.constant 0 : i32
    %c0_i32_0 = arith.constant 0 : i32
    return %c0_i32 : i32
  }
  func.func @transform_1(%arg0: i32) -> (i32, i32, i32) {
    %c0_i32 = arith.constant 0 : i32
    %c0_i32_0 = arith.constant 0 : i32
    %c0_i32_1 = arith.constant 0 : i32
    return %arg0, %c0_i32, %c0_i32_0 : i32, i32, i32
  }
  func.func @transform_2(%arg0: i32) -> (i32, i32, i32) {
    %c0_i32 = arith.constant 0 : i32
    %c0_i32_0 = arith.constant 0 : i32
    %c0_i32_1 = arith.constant 0 : i32
    return %arg0, %c0_i32, %c0_i32_0 : i32, i32, i32
  }
}

</mosaic_0001>

<sc_bundles>
// kernel: kernel.4.cloned.1.call-start
scs
__scs_entry_jumppad:
0x0: {  	(pc) =	sbr.rel $0x88, $3  }
0x1: {  	(tag) =	ssettag $0x0;
	lr =	simm.s32 $0x1  }
0x2: {  	[smem:$0x3F9E] =	sst lr;
	_ =	strace $0xD0000000  }
0x3: {  	_ = 	snop  }
0x4: {  	_ = 	snop  }
0x5: {  	_ = 	snop  }
0x6: {  	_ = 	snop  }
0x7: {  	_ = 	snop  }
__scs_overlays_trampoline_lowered:
0x8: {  	[smem:$0x3FAD] =	sst s0  }
0x9: {  	[smem:$0x3FAE] =	sst s1  }
0xa: {  	[smem:$0x3FAF] =	sst s2  }
0xb: {  	[smem:$0x3FB0] =	sst s3  }
0xc: {  	[smem:$0x3FB1] =	sst s4  }
0xd: {  	[smem:$0x3FB2] =	sst s5  }
0xe: {  	[smem:$0x3FB3] =	sst s6  }
0xf: {  	[smem:$0x3FB4] =	sst s7  }
0x10: {  	[smem:$0x3FB5] =	sst s8  }
0x11: {  	[smem:$0x3FB6] =	sst s9;
	s0 =	simm.s32 @!p0 $0x0  }
0x12: {  	s1 =	sld [smem:$0x3F9C];
	s0 =	simm.s32 @p0 $0x1  }
0x13: {  	[smem:$0x3FB7] =	sst s0;
	s0 =	simm.s32 @!p1 $0x0  }
0x14: {  	s2 =	sld [smem:$0x3F9B];
	s0 =	simm.s32 @p1 $0x1  }
0x15: {  	[smem:$0x3FB8] =	sst s0;
	s0 =	simm.s32 @!p2 $0x0  }
0x16: {  	s3 =	sld [smem:$0x3FDB];
	s0 =	simm.s32 @p2 $0x1  }
0x17: {  	s4 =	simm.s32 $0x1BF5;
	[smem:$0x3FBA] =	sst s0  }
0x18: {  	s0 =	sld [smem:$0x3F9D];
	_ =	swait.ge [sflag:s4], $0x0  }
0x19: {  	s7 =	sld [smem:$0x3F9E]  }
0x1a: {  	s8 =	sadd.s32 $0xFFFFE003, lr  }
0x1b: {  	s9 =	sadd.s32 $0xFFFFFEF7, lr;
	s5 =	simm.s32 $0xFFFFFFFF;
	p2 =	slt.u32 s8, $0xFFFFF086  }
0x1c: {  	p1 =	slt.u32 s9, $0xF7A;
	s5 =	simm.s32 @!p2 $0x0  }
0x1d: {  	s5 =	simm.s32 @p1 $0x1;
	p0 =	seq.s32 s7, s2  }
0x1e: {  	s7 =	smul.u32 @!p0 $0xF7A, s2;
	p2 =	seq.s32 @!p0 s5, $0x0  }
0x1f: {  	s9 =	smul.u32 $0xF7A, s1;
	s8 =	simm.s32 @!p0 $0x1BF5;
	p2 =	por !p2, p0  }
0x20: {  	[sflag:s8] =	ssyncset.s32 @!p0 $0xFFFFF086;
	s6 =	sadd.s32 @!p0 s3, s7;
	s7 =	simm.s32 @!p0 $0x108  }
0x21: {  	s3 =	sadd.s32 s3, s9;
	s6 =	sadd.s32 @!p0 $0x88, s6;
	s7 =	simm.s32 @p2 $0x1082  }
0x22: {  	[simem:s7], [sflag:s8] =	dma.local @!p0 [hbm:s6], $0xF7A  }
0x23: {  	s9 =	sor.u32 $0xD0000000, s2;
	s6 =	simm.s32 $0x108;
	_ =	swait.ge @!p0 [sflag:s8], $0x0  }
0x24: {  	s3 =	sadd.s32 $0x88, s3;
	s6 =	simm.s32 @!p1 $0x1082;
	[sflag:s4] =	ssyncset.s32 $0xFFFFF086  }
0x25: {  	[simem:s6], [sflag:s4] =	dma.local [hbm:s3], $0xF7A  }
0x26: {  	[smem:$0x3F9E] =	sst s1;
	(tag) =	ssettag s2;
	_ =	strace s9  }
0x27: {  	s1 =	sld [smem:$0x3FAE]  }
0x28: {  	s2 =	sld [smem:$0x3FAF]  }
0x29: {  	s4 =	sld [smem:$0x3FB1]  }
0x2a: {  	p0 =	seq.s32 s5, $0x0;
	s5 =	sld [smem:$0x3FB2]  }
0x2b: {  	s6 =	sld [smem:$0x3FB3]  }
0x2c: {  	s7 =	sld [smem:$0x3FB4]  }
0x2d: {  	s3 =	simm.s32 $0x108;
	s8 =	sld [smem:$0x3FB5]  }
0x2e: {  	s3 =	simm.s32 @!p0 $0x1082;
	s9 =	sld [smem:$0x3FB6]  }
0x2f: {  	lr =	sadd.s32 s0, s3;
	s0 =	sld [smem:$0x3FAD]  }
0x30: {  	s3 =	sld [smem:$0x3FB0]  }
0x31: {  	[smem:$0x3FB9] =	sst s10  }
0x32: {  	s10 =	sld [smem:$0x3FB7];
	_ =	sdelay $0x3  }
0x33: {  	p0 =	seq.s32 s10, $0x1;
	s10 =	sld [smem:$0x3FB9];
	_ =	sdelay $0x3  }
0x34: {  	[smem:$0x3FB9] =	sst s10  }
0x35: {  	s10 =	sld [smem:$0x3FB8];
	_ =	sdelay $0x3  }
0x36: {  	p1 =	seq.s32 s10, $0x1;
	s10 =	sld [smem:$0x3FB9];
	_ =	sdelay $0x3  }
0x37: {  	[smem:$0x3FB9] =	sst s10  }
0x38: {  	s10 =	sld [smem:$0x3FBA]  }
0x39: {  	_ = 	snop;
	(pc) =	sbr.ind lr, $3  }
0x3a: {  	_ = 	snop  }
0x3b: {  	_ = 	snop  }
0x3c: {  	p2 =	seq.s32 s10, $0x1;
	s10 =	sld [smem:$0x3FB9]  }
0x3d: {  	_ =	shalt  }
0x3e: {  	_ =	shalt  }
0x3f: {  	_ =	shalt  }
0x40: {  	_ =	shalt  }
0x41: {  	_ =	shalt  }
0x42: {  	_ =	shalt  }
0x43: {  	_ =	shalt  }
0x44: {  	_ =	shalt  }
0x45: {  	_ =	shalt  }
0x46: {  	_ =	shalt  }
0x47: {  	_ =	shalt  }
0x48: {  	_ =	shalt  }
0x49: {  	_ =	shalt  }
0x4a: {  	_ =	shalt  }
0x4b: {  	_ =	shalt  }
0x4c: {  	_ =	shalt  }
0x4d: {  	_ =	shalt  }
0x4e: {  	_ =	shalt  }
0x4f: {  	_ =	shalt  }
0x50: {  	_ =	shalt  }
0x51: {  	_ =	shalt  }
0x52: {  	_ =	shalt  }
0x53: {  	_ =	shalt  }
0x54: {  	_ =	shalt  }
0x55: {  	_ =	shalt  }
0x56: {  	_ =	shalt  }
0x57: {  	_ =	shalt  }
0x58: {  	_ =	shalt  }
0x59: {  	_ =	shalt  }
0x5a: {  	_ =	shalt  }
0x5b: {  	_ =	shalt  }
0x5c: {  	_ =	shalt  }
0x5d: {  	_ =	shalt  }
0x5e: {  	_ =	shalt  }
0x5f: {  	_ =	shalt  }
0x60: {  	_ =	shalt  }
0x61: {  	_ =	shalt  }
0x62: {  	_ =	shalt  }
0x63: {  	_ =	shalt  }
0x64: {  	_ =	shalt  }
0x65: {  	_ =	shalt  }
0x66: {  	_ =	shalt  }
0x67: {  	_ =	shalt  }
0x68: {  	_ =	shalt  }
0x69: {  	_ =	shalt  }
0x6a: {  	_ =	shalt  }
0x6b: {  	_ =	shalt  }
0x6c: {  	_ =	shalt  }
0x6d: {  	_ =	shalt  }
0x6e: {  	_ =	shalt  }
0x6f: {  	_ =	shalt  }
0x70: {  	_ =	shalt  }
0x71: {  	_ =	shalt  }
0x72: {  	_ =	shalt  }
0x73: {  	_ =	shalt  }
0x74: {  	_ =	shalt  }
0x75: {  	_ =	shalt  }
0x76: {  	_ =	shalt  }
0x77: {  	_ =	shalt  }
0x78: {  	_ =	shalt  }
0x79: {  	_ =	shalt  }
0x7a: {  	_ =	shalt  }
0x7b: {  	_ =	shalt  }
0x7c: {  	_ =	shalt  }
0x7d: {  	_ =	shalt  }
0x7e: {  	_ =	shalt  }
0x7f: {  	_ =	shalt  }
0x80: {  	_ =	shalt  }
0x81: {  	_ =	shalt  }
0x82: {  	_ =	shalt  }
0x83: {  	_ =	shalt  }
0x84: {  	_ =	shalt  }
0x85: {  	_ =	shalt  }
0x86: {  	_ =	shalt  }
0x87: {  	_ =	shalt  }
.Lfunc_end0:
.L_simem_size_0:
called_computation_lowered:
.L_overlay_start_0:
0x88: {  	s2 =	sld [smem:$0x3FD9]  }
0x89: {  	s3 =	sld [smem:$0x3FFE];
	_ =	sdelay $0x1  }
0x8a: {  	s1 =	srdreg.scid  }
0x8b: {  	s0 =	sand.u32 $0x1, s1  }
0x8c: {  	s17 =	sshll.u32 s0, $0xA;
	s2 =	sadd.s32 s3, s2  }
0x8d: {  	s2 =	sadd.s32 s2, s17  }
0x8e: {  	[smem:$0x3FC5] =	sst s2  }
0x8f: {  	_ = 	snop  }
0x90: {  	s2 =	sld [smem:$0x3FD0];
	(tm) =	ssettm $0x1  }
0x91: {  	s18 =	sld [smem:$0x3FFB];
	_ =	sdelay $0x3  }
0x92: {  	_ =	strace s18  }
0x93: {  	s3 =	sld [smem:$0x3FFC];
	_ =	sdelay $0x3  }
0x94: {  	_ =	strace s3  }
0x95: {  	s3 =	sld [smem:$0x3FFD];
	_ =	sdelay $0x3  }
0x96: {  	_ =	strace s3  }
0x97: {  	_ =	strace $0x8FFFFFFF  }
0x98: {  	s19 =	sld [smem:$0x3FDB];
	_ =	sdelay $0x1  }
0x99: {  	s4 =	simm.s32 $_scs_section_size  }
0x9a: {  	s5 =	simm.s32 $_size__tile_overlayer_lowered;
	s6 =	simm.s32 $_tile_overlayer_lowered  }
0x9b: {  	s22 =	simm.s32 $0x1BFF;
	s21 =	sshll.u32 s6, $0x1;
	s3 =	sadd.s32 s4, s19  }
0x9c: {  	s7 =	simm.s32 $0x0;
	s20 =	sshll.u32 s5, $0x1;
	s5 =	sadd.s32 s21, s3  }
0x9d: {  	[timem:s7], [sflag:s22] =	dma.local [hbm:s5], s20  }
0x9e: {  	_ =	swait.ge [sflag:s22], s20  }
0x9f: {  	s4 =	ssub.s32 $0x0, s20;
	[sflag:s22] =	ssyncset.done $0x0  }
0xa0: {  	[sflag:s22] =	ssyncadd.s32 s4;
	_ =	sdelay $0x1  }
0xa1: {  	s23 =	simm.s32 $0x1B8B  }
0xa2: {  	_ =	swait.ge [sflag:s23], $0x1  }
0xa3: {  	[sflag:s23] =	ssyncset.done $0x0  }
0xa4: {  	s25 =	simm.s32 $0x1B8E;
	s24 =	sld [smem:$0x3FFE];
	[sflag:s23] =	ssyncadd.s32 $0xFFFFFFFF  }
0xa5: {  	s26 =	simm.s32 $execute0_lowered;
	[smem:$0x3FD2] =	sst s25  }
0xa6: {  	s5 =	sshll.u32 s26, $0x1;
	_ =	strace $0x80000046;
	[dreg:$0x1] =	wrdreg $0xFFFFFFFF  }
0xa7: {  	s28 =	simm.s32 $_size_execute0_lowered;
	s3 =	sadd.s32 s3, s5;
	[dreg:$0x0] =	wrdreg $0x0  }
0xa8: {  	s5 =	sshll.u32 s28, $0x1;
	[dreg:$0x2] =	wrdreg s3  }
0xa9: {  	[dreg:$0x3] =	wrdreg s5  }
0xaa: {  	[dreg:$0x4] =	wrdreg $0xC0  }
0xab: {  	_ =	task [dreg:s7], $0x5FFFF  }
0xac: {  	[dreg:$0x1] =	wrdreg $0xFFFFFFFF  }
0xad: {  	[dreg:$0x0] =	wrdreg $0x60  }
0xae: {  	[dreg:$0x2] =	wrdreg s24  }
0xaf: {  	[dreg:$0x3] =	wrdreg s2  }
0xb0: {  	[dreg:$0x4] =	wrdreg $0x9  }
0xb1: {  	_ =	task.clear_ibuf [dreg:s7], $0x5FFFF;
	_ =	strace $0x90000046  }
0xb2: {  	s29 =	simm.s32 $0x9;
	_ =	strace $0x80000048  }
0xb3: {  	_ =	swait.ge [sflag:s29], $0x1  }
0xb4: {  	[sflag:s29] =	ssyncadd.s32 $0xFFFFFFFF  }
0xb5: {  	_ =	strace $0x90000048  }
0xb6: {  	_ =	sfence  }
0xb7: {  	s30 =	sld [smem:$0x0];
	_ =	sdelay $0x2  }
0xb8: {  	s31 =	sshll.u32 s1, $0xD;
	s1 =	sshrl.u32 s1, $0x2  }
0xb9: {  	s3 =	sand.u32 $0x4000, s31;
	s1 =	sadd.s32 s1, s30  }
0xba: {  	s0 =	sor.u32 s3, s0;
	s1 =	sshll.u32 s1, $0x11  }
0xbb: {  	s0 =	sor.u32 s1, s0  }
0xbc: {  	s0 =	sadd.s32 $0x8F2B, s0  }
0xbd: {  	[sflag:s0] =	ssyncadd.remote.s32 $0x1  }
0xbe: {  	_ =	sfence.sel $0xFFFF  }
0xbf: {  	[dreg:$0x0] =	wrdreg $0xFFFFFFFF;
	(pc) =	sbr.abs _section_cstart, $3  }
0xc0: {  	[dreg:$0x1] =	wrdreg $0xFFFFFFFF  }
0xc1: {  	_ =	task.clear_ibuf [dreg:s7], $0x2FFFF;
	_ =	strace $0x9FFFFFFF  }
0xc2: {  	(tm) =	ssettm $0x7FFFFFFF  }
0xc3: {  	_ =	shalt  }
tec
execute0_lowered:
.L_overlay_start_1:
0x0: {  	(tag) =	ssettag $0x1  }
0x1: {  	s4 =	rddreg [dreg:$0x0];
	s1 =	srdreg.scid  }
0x2: {  	s0 =	stileid.u32;
	s5 =	rddreg [dreg:$0x1]  }
0x3: {  	s9 =	simm.s32 $0x400;
	s10 =	simm.s32 $0x9A00;
	s11 =	simm.s32 $0x0  }
0x4: {  	s6 =	sand.u32 $0x1, s1;
	s2 =	sshll.u32 s0, $0x1;
	s1 =	rddreg [dreg:$0x2]  }
0x5: {  	s3 =	sshrl.u32 s0, $0x2;
	s7 =	sor.u32 s6, s2;
	s2 =	simm.s32 $0x0  }
0x6: {  	s3 =	smul.u32 $0x1A000, s3;
	s6 =	ssub.s32 $0x2, s6;
	s8 =	sshll.u32 s7, $0x7  }
0x7: {  	[smem:$0x7FF] =	sst s2;
	s31 =	sshrl.u32 s6, $0x1;
	s8 =	sand.u32 $0x380, s8  }
0x8: {  	s7 =	sshll.u32 s7, $0x6;
	_ =	strace $0x80000047;
	s8 =	sor.u32 s3, s8  }
0x9: {  	s6 =	ssub.s32 s6, s31;
	s5 =	sadd.s32 s5, s7;
	s8 =	sshrl.u32 s8, $0x3  }
0xa: {  	s7 =	simm.s32 $0x1;
	s3 =	sadd.s32 $0xD200, s4;
	s4 =	sadd.s32 s8, s4  }
0xb: {  	s6 =	smax.u32 s6, $0x1;
	s8 =	simm.s32 $0x80;
	s4 =	sadd.s32 $0x200, s4  }
.LBB2_1:
0xc: {  	[tilespmem:s2], [sflag:$0x1] =	stream.linear.gather [hbm4b:s3+s2], $0x6600, $0x38;
	[tilespmem:$0x9C00] =	vst v63  }
0xd: {  	_ =	swait.ge [sflag:s7], $0x6600  }
0xe: {  	[sflag:s7] =	ssyncset.done $0x0  }
0xf: {  	s12 =	simm.s32 $0x6600;
	[sflag:s7] =	ssyncadd.s32 $0xFFFF9A00  }
0x10: {  	[tilespmem:s12], [sflag:$0x1] =	stream.strided.gather [hbm4b:s4+s8], $0x3400, s9, s8, $0x38;
	[tilespmem:$0x9C00] =	vst v63  }
0x11: {  	_ =	swait.ge [sflag:s7], $0x3400  }
0x12: {  	[sflag:s7] =	ssyncset.done $0x0  }
0x13: {  	[sflag:s7] =	ssyncadd.s32 $0xFFFFCC00  }
0x14: {  	v0 =	vld [tilespmem:s12+$0x0]  }
0x15: {  	s31 =	sand.u32 $0x1F0, s2  }
0x16: {  	v1 =	vld [tilespmem:s31+$0x6800];
	_ =	sdelay $0x1  }
0x17: {  	v2 =	vld [tilespmem:s31+$0x6A00];
	_ =	sdelay $0x1  }
0x18: {  	v3 =	vld [tilespmem:s31+$0x6C00]  }
0x19: {  	v4 =	vld [tilespmem:s31+$0x6E00]  }
0x1a: {  	v0 =	vld.idx.msk [tilespmem:v0+s2+$0x0], $0xffff  }
0x1b: {  	v5 =	vld [tilespmem:s31+$0x7000]  }
0x1c: {  	v1 =	vld.idx.msk [tilespmem:v1+s2+$0x0], $0xffff  }
0x1d: {  	v6 =	vld [tilespmem:s31+$0x7200]  }
0x1e: {  	v2 =	vld.idx.msk [tilespmem:v2+s2+$0x0], $0xffff  }
0x1f: {  	v7 =	vld [tilespmem:s31+$0x7400];
	v0 =	vadd.f32 $0.0e+00, v0  }
0x20: {  	v3 =	vld.idx.msk [tilespmem:v3+s2+$0x0], $0xffff  }
0x21: {  	v8 =	vld [tilespmem:s31+$0x7600];
	v0 =	vadd.f32 v1, v0  }
0x22: {  	v1 =	vld.idx.msk [tilespmem:v4+s2+$0x0], $0xffff  }
0x23: {  	v47 =	vld [tilespmem:s31+$0x7800];
	v0 =	vadd.f32 v2, v0  }
0x24: {  	v2 =	vld.idx.msk [tilespmem:v5+s2+$0x0], $0xffff  }
0x25: {  	v48 =	vld [tilespmem:s31+$0x7A00];
	v0 =	vadd.f32 v3, v0  }
0x26: {  	v3 =	vld.idx.msk [tilespmem:v6+s2+$0x0], $0xffff  }
0x27: {  	v49 =	vld [tilespmem:s31+$0x7C00];
	v0 =	vadd.f32 v1, v0  }
0x28: {  	v1 =	vld.idx.msk [tilespmem:v7+s2+$0x0], $0xffff  }
0x29: {  	v50 =	vld [tilespmem:s31+$0x7E00];
	v0 =	vadd.f32 v2, v0  }
0x2a: {  	v2 =	vld.idx.msk [tilespmem:v8+s2+$0x0], $0xffff  }
0x2b: {  	v51 =	vld [tilespmem:s31+$0x8000];
	v0 =	vadd.f32 v3, v0  }
0x2c: {  	v3 =	vld.idx.msk [tilespmem:v47+s2+$0x0], $0xffff  }
0x2d: {  	v52 =	vld [tilespmem:s31+$0x8200];
	v0 =	vadd.f32 v1, v0  }
0x2e: {  	v1 =	vld.idx.msk [tilespmem:v48+s2+$0x0], $0xffff  }
0x2f: {  	v53 =	vld [tilespmem:s31+$0x8400];
	v0 =	vadd.f32 v2, v0  }
0x30: {  	v2 =	vld.idx.msk [tilespmem:v49+s2+$0x0], $0xffff  }
0x31: {  	v54 =	vld [tilespmem:s31+$0x8600];
	v0 =	vadd.f32 v3, v0  }
0x32: {  	v3 =	vld.idx.msk [tilespmem:v50+s2+$0x0], $0xffff  }
0x33: {  	v55 =	vld [tilespmem:s31+$0x8800];
	v0 =	vadd.f32 v1, v0  }
0x34: {  	v1 =	vld.idx.msk [tilespmem:v51+s2+$0x0], $0xffff  }
0x35: {  	v56 =	vld [tilespmem:s31+$0x8A00];
	v0 =	vadd.f32 v2, v0  }
0x36: {  	v2 =	vld.idx.msk [tilespmem:v52+s2+$0x0], $0xffff  }
0x37: {  	v57 =	vld [tilespmem:s31+$0x8C00];
	v0 =	vadd.f32 v3, v0  }
0x38: {  	v3 =	vld.idx.msk [tilespmem:v53+s2+$0x0], $0xffff  }
0x39: {  	v58 =	vld [tilespmem:s31+$0x8E00];
	v0 =	vadd.f32 v1, v0  }
0x3a: {  	v1 =	vld.idx.msk [tilespmem:v54+s2+$0x0], $0xffff  }
0x3b: {  	v59 =	vld [tilespmem:s31+$0x9000];
	v0 =	vadd.f32 v2, v0  }
0x3c: {  	v2 =	vld.idx.msk [tilespmem:v55+s2+$0x0], $0xffff  }
0x3d: {  	v60 =	vld [tilespmem:s31+$0x9200];
	v0 =	vadd.f32 v3, v0  }
0x3e: {  	v3 =	vld.idx.msk [tilespmem:v56+s2+$0x0], $0xffff  }
0x3f: {  	v61 =	vld [tilespmem:s31+$0x9400];
	v0 =	vadd.f32 v1, v0  }
0x40: {  	v1 =	vld.idx.msk [tilespmem:v57+s2+$0x0], $0xffff  }
0x41: {  	v62 =	vld [tilespmem:s31+$0x9600];
	v0 =	vadd.f32 v2, v0  }
0x42: {  	v2 =	vld.idx.msk [tilespmem:v58+s2+$0x0], $0xffff  }
0x43: {  	v63 =	vld [tilespmem:s31+$0x9800];
	v0 =	vadd.f32 v3, v0  }
0x44: {  	v3 =	vld.idx.msk [tilespmem:v59+s2+$0x0], $0xffff  }
0x45: {  	v0 =	vadd.f32 v1, v0  }
0x46: {  	v1 =	vld.idx.msk [tilespmem:v60+s2+$0x0], $0xffff  }
0x47: {  	v0 =	vadd.f32 v2, v0  }
0x48: {  	v2 =	vld.idx.msk [tilespmem:v61+s2+$0x0], $0xffff  }
0x49: {  	v0 =	vadd.f32 v3, v0  }
0x4a: {  	v3 =	vld.idx.msk [tilespmem:v62+s2+$0x0], $0xffff  }
0x4b: {  	v0 =	vadd.f32 v1, v0  }
0x4c: {  	v1 =	vld.idx.msk [tilespmem:v63+s2+$0x0], $0xffff  }
0x4d: {  	v0 =	vadd.f32 v2, v0;
	_ =	sdelay $0x1  }
0x4e: {  	v0 =	vadd.f32 v3, v0;
	_ =	sdelay $0x1  }
0x4f: {  	v0 =	vadd.f32 v1, v0;
	_ =	sdelay $0x1  }
0x50: {  	s13 =	simm.s32 $0x6610;
	[tilespmem:s10+$0x0] =	vst v0  }
0x51: {  	s14 =	simm.s32 $0x10;
	s15 =	simm.s32 $0x20;
	s12 =	simm.s32 $0x9A00;
	v0 =	vld [tilespmem:s13+$0x0]  }
.LBB2_2:
0x52: {  	p0 =	sne.s32 s15, $0x1F0;
	s16 =	sand.u32 $0x1F0, s14;
	s14 =	smov.u32 s15  }
0x53: {  	v1 =	vld [tilespmem:s16+$0x6800];
	_ =	sdelay $0x1  }
0x54: {  	v2 =	vld [tilespmem:s16+$0x6A00];
	_ =	sdelay $0x1  }
0x55: {  	v3 =	vld [tilespmem:s16+$0x6C00]  }
0x56: {  	v4 =	vld [tilespmem:s16+$0x6E00]  }
0x57: {  	v0 =	vld.idx.msk [tilespmem:v0+s2+$0x0], $0xffff  }
0x58: {  	v5 =	vld [tilespmem:s16+$0x7000]  }
0x59: {  	v1 =	vld.idx.msk [tilespmem:v1+s2+$0x0], $0xffff  }
0x5a: {  	v6 =	vld [tilespmem:s16+$0x7200]  }
0x5b: {  	v2 =	vld.idx.msk [tilespmem:v2+s2+$0x0], $0xffff  }
0x5c: {  	v7 =	vld [tilespmem:s16+$0x7400]  }
0x5d: {  	v0 =	vadd.f32 $0.0e+00, v0;
	v3 =	vld.idx.msk [tilespmem:v3+s2+$0x0], $0xffff  }
0x5e: {  	v8 =	vld [tilespmem:s16+$0x7600]  }
0x5f: {  	v0 =	vadd.f32 v1, v0;
	v1 =	vld.idx.msk [tilespmem:v4+s2+$0x0], $0xffff  }
0x60: {  	v4 =	vld [tilespmem:s16+$0x7800]  }
0x61: {  	v0 =	vadd.f32 v2, v0;
	v2 =	vld.idx.msk [tilespmem:v5+s2+$0x0], $0xffff  }
0x62: {  	v5 =	vld [tilespmem:s16+$0x7A00]  }
0x63: {  	v0 =	vadd.f32 v3, v0;
	v3 =	vld.idx.msk [tilespmem:v6+s2+$0x0], $0xffff  }
0x64: {  	v6 =	vld [tilespmem:s16+$0x7C00]  }
0x65: {  	v0 =	vadd.f32 v1, v0;
	v1 =	vld.idx.msk [tilespmem:v7+s2+$0x0], $0xffff  }
0x66: {  	v7 =	vld [tilespmem:s16+$0x7E00]  }
0x67: {  	v0 =	vadd.f32 v2, v0;
	v2 =	vld.idx.msk [tilespmem:v8+s2+$0x0], $0xffff  }
0x68: {  	v8 =	vld [tilespmem:s16+$0x8000]  }
0x69: {  	v0 =	vadd.f32 v3, v0;
	v3 =	vld.idx.msk [tilespmem:v4+s2+$0x0], $0xffff  }
0x6a: {  	v4 =	vld [tilespmem:s16+$0x8200]  }
0x6b: {  	v0 =	vadd.f32 v1, v0;
	v1 =	vld.idx.msk [tilespmem:v5+s2+$0x0], $0xffff  }
0x6c: {  	v5 =	vld [tilespmem:s16+$0x8400]  }
0x6d: {  	v0 =	vadd.f32 v2, v0;
	v2 =	vld.idx.msk [tilespmem:v6+s2+$0x0], $0xffff  }
0x6e: {  	v6 =	vld [tilespmem:s16+$0x8600]  }
0x6f: {  	v0 =	vadd.f32 v3, v0;
	v3 =	vld.idx.msk [tilespmem:v7+s2+$0x0], $0xffff  }
0x70: {  	v7 =	vld [tilespmem:s16+$0x8800]  }
0x71: {  	v0 =	vadd.f32 v1, v0;
	v1 =	vld.idx.msk [tilespmem:v8+s2+$0x0], $0xffff  }
0x72: {  	v8 =	vld [tilespmem:s16+$0x8A00]  }
0x73: {  	v0 =	vadd.f32 v2, v0;
	v2 =	vld.idx.msk [tilespmem:v4+s2+$0x0], $0xffff  }
0x74: {  	v4 =	vld [tilespmem:s16+$0x8C00]  }
0x75: {  	v0 =	vadd.f32 v3, v0;
	v3 =	vld.idx.msk [tilespmem:v5+s2+$0x0], $0xffff  }
0x76: {  	v5 =	vld [tilespmem:s16+$0x8E00]  }
0x77: {  	v0 =	vadd.f32 v1, v0;
	v1 =	vld.idx.msk [tilespmem:v6+s2+$0x0], $0xffff  }
0x78: {  	v6 =	vld [tilespmem:s16+$0x9000]  }
0x79: {  	v0 =	vadd.f32 v2, v0;
	v2 =	vld.idx.msk [tilespmem:v7+s2+$0x0], $0xffff  }
0x7a: {  	v7 =	vld [tilespmem:s16+$0x9200]  }
0x7b: {  	v0 =	vadd.f32 v3, v0;
	v3 =	vld.idx.msk [tilespmem:v8+s2+$0x0], $0xffff  }
0x7c: {  	v8 =	vld [tilespmem:s16+$0x9400]  }
0x7d: {  	v0 =	vadd.f32 v1, v0;
	v1 =	vld.idx.msk [tilespmem:v4+s2+$0x0], $0xffff  }
0x7e: {  	v4 =	vld [tilespmem:s16+$0x9600]  }
0x7f: {  	v0 =	vadd.f32 v2, v0;
	v2 =	vld.idx.msk [tilespmem:v5+s2+$0x0], $0xffff  }
0x80: {  	v5 =	vld [tilespmem:s16+$0x9800]  }
0x81: {  	v0 =	vadd.f32 v3, v0;
	v3 =	vld.idx.msk [tilespmem:v6+s2+$0x0], $0xffff;
	_ =	sdelay $0x1  }
0x82: {  	v0 =	vadd.f32 v1, v0;
	v1 =	vld.idx.msk [tilespmem:v7+s2+$0x0], $0xffff;
	_ =	sdelay $0x1  }
0x83: {  	v0 =	vadd.f32 v2, v0;
	v2 =	vld.idx.msk [tilespmem:v8+s2+$0x0], $0xffff;
	_ =	sdelay $0x1  }
0x84: {  	v0 =	vadd.f32 v3, v0;
	v3 =	vld.idx.msk [tilespmem:v4+s2+$0x0], $0xffff;
	_ =	sdelay $0x1  }
0x85: {  	v0 =	vadd.f32 v1, v0;
	v1 =	vld.idx.msk [tilespmem:v5+s2+$0x0], $0xffff;
	_ =	sdelay $0x1  }
0x86: {  	v0 =	vadd.f32 v2, v0;
	_ =	sdelay $0x1  }
0x87: {  	v0 =	vadd.f32 v3, v0  }
.Ltmp0:
0x88: {  	(pc) =	sbr.rel @p0 .LBB2_2-.Ltmp0, $4  }
0x89: {  	v0 =	vadd.f32 v1, v0  }
0x8a: {  	s12 =	sadd.s32 $0x10, s12  }
0x8b: {  	s13 =	sadd.s32 $0x10, s13;
	[tilespmem:s12+$0x0] =	vst v0  }
0x8c: {  	s15 =	sadd.s32 $0x10, s15;
	v0 =	vld [tilespmem:s13+$0x0]  }
0x8d: {  	_ = 	snop  }
0x8e: {  	s13 =	sand.u32 $0x1F0, s14  }
0x8f: {  	v1 =	vld [tilespmem:s13+$0x6800];
	_ =	sdelay $0x1  }
0x90: {  	v2 =	vld [tilespmem:s13+$0x6A00];
	_ =	sdelay $0x1  }
0x91: {  	v3 =	vld [tilespmem:s13+$0x6C00]  }
0x92: {  	v4 =	vld [tilespmem:s13+$0x6E00]  }
0x93: {  	v0 =	vld.idx.msk [tilespmem:v0+s2+$0x0], $0xffff  }
0x94: {  	v5 =	vld [tilespmem:s13+$0x7000]  }
0x95: {  	v1 =	vld.idx.msk [tilespmem:v1+s2+$0x0], $0xffff  }
0x96: {  	v6 =	vld [tilespmem:s13+$0x7200]  }
0x97: {  	v2 =	vld.idx.msk [tilespmem:v2+s2+$0x0], $0xffff  }
0x98: {  	v7 =	vld [tilespmem:s13+$0x7400];
	v0 =	vadd.f32 $0.0e+00, v0  }
0x99: {  	v3 =	vld.idx.msk [tilespmem:v3+s2+$0x0], $0xffff  }
0x9a: {  	v8 =	vld [tilespmem:s13+$0x7600];
	v0 =	vadd.f32 v1, v0  }
0x9b: {  	v25 =	vld.idx.msk [tilespmem:v4+s2+$0x0], $0xffff  }
0x9c: {  	v26 =	vld [tilespmem:s13+$0x7800];
	v0 =	vadd.f32 v2, v0  }
0x9d: {  	v27 =	vld.idx.msk [tilespmem:v5+s2+$0x0], $0xffff  }
0x9e: {  	v28 =	vld [tilespmem:s13+$0x7A00];
	v0 =	vadd.f32 v3, v0  }
0x9f: {  	v29 =	vld.idx.msk [tilespmem:v6+s2+$0x0], $0xffff  }
0xa0: {  	v30 =	vld [tilespmem:s13+$0x7C00];
	v0 =	vadd.f32 v25, v0  }
0xa1: {  	v31 =	vld.idx.msk [tilespmem:v7+s2+$0x0], $0xffff  }
0xa2: {  	v32 =	vld [tilespmem:s13+$0x7E00];
	v0 =	vadd.f32 v27, v0  }
0xa3: {  	v33 =	vld.idx.msk [tilespmem:v8+s2+$0x0], $0xffff  }
0xa4: {  	v34 =	vld [tilespmem:s13+$0x8000];
	v0 =	vadd.f32 v29, v0  }
0xa5: {  	v35 =	vld.idx.msk [tilespmem:v26+s2+$0x0], $0xffff  }
0xa6: {  	v36 =	vld [tilespmem:s13+$0x8200];
	v0 =	vadd.f32 v31, v0  }
0xa7: {  	v37 =	vld.idx.msk [tilespmem:v28+s2+$0x0], $0xffff  }
0xa8: {  	v38 =	vld [tilespmem:s13+$0x8400];
	v0 =	vadd.f32 v33, v0  }
0xa9: {  	v39 =	vld.idx.msk [tilespmem:v30+s2+$0x0], $0xffff  }
0xaa: {  	v40 =	vld [tilespmem:s13+$0x8600];
	v0 =	vadd.f32 v35, v0  }
0xab: {  	v41 =	vld.idx.msk [tilespmem:v32+s2+$0x0], $0xffff  }
0xac: {  	v42 =	vld [tilespmem:s13+$0x8800];
	v0 =	vadd.f32 v37, v0  }
0xad: {  	v43 =	vld.idx.msk [tilespmem:v34+s2+$0x0], $0xffff  }
0xae: {  	v44 =	vld [tilespmem:s13+$0x8A00];
	v0 =	vadd.f32 v39, v0  }
0xaf: {  	v45 =	vld.idx.msk [tilespmem:v36+s2+$0x0], $0xffff  }
0xb0: {  	v46 =	vld [tilespmem:s13+$0x8C00];
	v0 =	vadd.f32 v41, v0  }
0xb1: {  	v47 =	vld.idx.msk [tilespmem:v38+s2+$0x0], $0xffff  }
0xb2: {  	v48 =	vld [tilespmem:s13+$0x8E00];
	v0 =	vadd.f32 v43, v0  }
0xb3: {  	v49 =	vld.idx.msk [tilespmem:v40+s2+$0x0], $0xffff  }
0xb4: {  	v50 =	vld [tilespmem:s13+$0x9000];
	v0 =	vadd.f32 v45, v0  }
0xb5: {  	v51 =	vld.idx.msk [tilespmem:v42+s2+$0x0], $0xffff  }
0xb6: {  	v52 =	vld [tilespmem:s13+$0x9200];
	v0 =	vadd.f32 v47, v0  }
0xb7: {  	v53 =	vld.idx.msk [tilespmem:v44+s2+$0x0], $0xffff  }
0xb8: {  	v54 =	vld [tilespmem:s13+$0x9400];
	v0 =	vadd.f32 v49, v0  }
0xb9: {  	v55 =	vld.idx.msk [tilespmem:v46+s2+$0x0], $0xffff  }
0xba: {  	v56 =	vld [tilespmem:s13+$0x9600];
	v0 =	vadd.f32 v51, v0  }
0xbb: {  	v57 =	vld.idx.msk [tilespmem:v48+s2+$0x0], $0xffff  }
0xbc: {  	v58 =	vld [tilespmem:s13+$0x9800];
	v0 =	vadd.f32 v53, v0  }
0xbd: {  	v59 =	vld.idx.msk [tilespmem:v50+s2+$0x0], $0xffff  }
0xbe: {  	v0 =	vadd.f32 v55, v0  }
0xbf: {  	v60 =	vld.idx.msk [tilespmem:v52+s2+$0x0], $0xffff  }
0xc0: {  	v0 =	vadd.f32 v57, v0  }
0xc1: {  	v61 =	vld.idx.msk [tilespmem:v54+s2+$0x0], $0xffff  }
0xc2: {  	v0 =	vadd.f32 v59, v0  }
0xc3: {  	v62 =	vld.idx.msk [tilespmem:v56+s2+$0x0], $0xffff  }
0xc4: {  	v0 =	vadd.f32 v60, v0  }
0xc5: {  	v63 =	vld.idx.msk [tilespmem:v58+s2+$0x0], $0xffff  }
0xc6: {  	v0 =	vadd.f32 v61, v0;
	_ =	sdelay $0x1  }
0xc7: {  	v0 =	vadd.f32 v62, v0;
	_ =	sdelay $0x1  }
0xc8: {  	s11 =	sadd.s32 $0x1, s11;
	v0 =	vadd.f32 v63, v0  }
0xc9: {  	s12 =	sadd.s32 $0x10, s12;
	p0 =	sne.s32 s11, s6  }
.Ltmp1:
0xca: {  	[tilespmem:s12+$0x0] =	vst v0;
	(pc) =	sbr.rel @p0 .LBB2_1-.Ltmp1, $4  }
0xcb: {  	[hbm4b:s5+s2] =	stream.linear.scatter [tilespmem:s10], [sflag:$0x1], $0x200, $0x38;
	[tilespmem:$0x9C00] =	vst v63  }
0xcc: {  	_ =	swait.ge [sflag:s7], $0x200  }
0xcd: {  	[sflag:s7] =	ssyncset.done $0x0  }
0xce: {  	[sflag:s7] =	ssyncadd.s32 $0xFFFFFE00  }
0xcf: {  	_ =	sfence.sel $0x180000  }
0xd0: {  	[bflag:$0x0] =	sbarrier.arrive $0xFFFF  }
0xd1: {  	p0 =	sne.s32 s0, $0x0;
	_ =	strace $0x90000047  }
0xd2: {  	s0 =	sadd.s32 @!p0 $0x100000, s1;
	[bflag:$0x2] =	sbarrier.arrive $0xFFFF  }
0xd3: {  	[sflag:s0] =	ssyncadd.tile.s32 @!p0 $0x1;
	_ =	shalt  }
.Lfunc_end2:
_tile_overlayer_lowered:
.L_overlay_start_2:
0xd4: {  	(tag) =	ssettag $0x2  }
0xd5: {  	s0 =	rddreg [dreg:$0x0];
	s2 =	stileid.u32  }
0xd6: {  	s1 =	rddreg [dreg:$0x1];
	p0 =	sne.s32 s2, $0x0  }
0xd7: {  	s3 =	rddreg [dreg:$0x2];
	[bflag:$0x3] =	sbarrier.arrive $0xFFFF;
	s2 =	simm.s32 @!p0 $0x1C01  }
0xd8: {  	[timem:s3], [sflag:s2] =	dma.local @!p0 [hbm:s0], s1  }
0xd9: {  	s0 =	simm.s32 @!p0 $0x1  }
0xda: {  	_ =	swait.ge @!p0 [sflag:s0], s1  }
0xdb: {  	s1 =	ssub.s32 @!p0 $0x0, s1;
	[sflag:s0] =	ssyncset.done @!p0 $0x0  }
0xdc: {  	[sflag:s0] =	ssyncadd.s32 @!p0 s1  }
0xdd: {  	[bflag:$0x3] =	sbarrier.arrive $0xFFFF  }
0xde: {  	_ =	shalt  }

</sc_bundles>
